<compile_context>
chip_gen: v7x
topology: tpu7x:2x2x1
jax: 0.10.2.dev20260603
libtpu: 0.0.44.dev20260713+nightly
codegen_flags: <defaults>
</compile_context>

<pallas_src>
import functools

import numpy as np

import jax
import jax.numpy as jnp
from jax import lax
from jax.experimental import pallas as pl
from jax.experimental.pallas import tpu as pltpu
from jax.experimental.pallas import tpu_sc as plsc

_N = 1048576
_OHEM = 3
_NC, _NS, _L = 2, 16, 16
_NW = _NC * _NS
_PER_W = _N // _NW
_CH = 8192
_NCH = _PER_W // _CH

_SP_C = (-1.7414117e-02, 8.2691424e-02, -1.9035463e-01, 3.1574753e-01,
         -4.9737328e-01, 9.9984771e-01, 1.4716139e-06)

@functools.cache
def _make_sc_reduce():
    mesh = plsc.VectorSubcoreMesh(core_axis_name="c", subcore_axis_name="s")
    return pl.kernel(
        _sc_reduce_body,
        out_type=jax.ShapeDtypeStruct((_NW, 2 * _L), jnp.float32),
        mesh=mesh,
        compiler_params=pltpu.CompilerParams(needs_layout_passes=False),
        scratch_types=[
            pltpu.VMEM((_CH,), jnp.float32),
            pltpu.VMEM((_CH,), jnp.float32),
            pltpu.VMEM((_CH,), jnp.float32),
            pltpu.VMEM((_CH,), jnp.float32),
            pltpu.VMEM((_CH,), jnp.int32),
            pltpu.VMEM((_CH,), jnp.int32),
            pltpu.VMEM((2 * _L,), jnp.float32),
            pltpu.SemaphoreType.DMA,
            pltpu.SemaphoreType.DMA,
        ],
    )


def _sc_reduce_body(p0_hbm, p1_hbm, label_hbm, out_p,
                    p0a, p0b, p1a, p1b, laba, labb, obuf, sema, semb):
    wid = lax.axis_index("s") * _NC + lax.axis_index("c")
    base = wid * _PER_W
    bufs = ((p0a, p1a, laba, sema), (p0b, p1b, labb, semb))

    def start(c, bp0, bp1, bl, sem):
        off = base + c * _CH
        pltpu.async_copy(p0_hbm.at[pl.ds(off, _CH)], bp0, sem)
        pltpu.async_copy(p1_hbm.at[pl.ds(off, _CH)], bp1, sem)
        pltpu.async_copy(label_hbm.at[pl.ds(off, _CH)], bl, sem)

    def drain(c, bp0, bp1, bl, sem):
        off = base + c * _CH
        pltpu.make_async_copy(p0_hbm.at[pl.ds(off, _CH)], bp0, sem).wait()
        pltpu.make_async_copy(p1_hbm.at[pl.ds(off, _CH)], bp1, sem).wait()
        pltpu.make_async_copy(label_hbm.at[pl.ds(off, _CH)], bl, sem).wait()

    zf = jnp.zeros((_L,), jnp.float32)
    onef = jnp.full((_L,), 1.0, jnp.float32)

    def chunk(bp0, bp1, bl, carry):
        def body(i, cr):
            accf, accc = cr
            d = bp1[pl.ds(i * _L, _L)] - bp0[pl.ds(i * _L, _L)]
            lab = bl[pl.ds(i * _L, _L)]
            t = jnp.exp(-jnp.abs(d))
            sp = jnp.full((_L,), _SP_C[0], jnp.float32)
            for c in _SP_C[1:]:
                sp = sp * t + jnp.full((_L,), c, jnp.float32)
            isneg = lab == 0
            z = jnp.where(isneg, d, -d)
            nll = jnp.maximum(z, zf) + sp
            return accf + nll, accc + jnp.where(isneg, zf, onef)
        return lax.fori_loop(0, _CH // _L, body, carry)

    carry = (jnp.zeros((_L,), jnp.float32), jnp.zeros((_L,), jnp.float32))
    start(0, *bufs[0])
    for c in range(_NCH):
        if c + 1 < _NCH:
            start(c + 1, *bufs[(c + 1) % 2])
        drain(c, *bufs[c % 2])
        carry = chunk(*bufs[c % 2][:3], carry)
    accf, accc = carry
    obuf[pl.ds(0, _L)] = accf
    obuf[pl.ds(_L, _L)] = accc
    pltpu.sync_copy(obuf, out_p.at[wid])


_RB = _N // 128
_NBLK = 16
_RPB = _RB // _NBLK

_MININT = -2147483648
_MAXPOS = 2147483647


def _skey(score):
    b = lax.bitcast_convert_type(score, jnp.int32)
    return jnp.where(b >= 0, b, b ^ jnp.int32(_MAXPOS))


def _rare_body(p0_ref, p1_ref, lab_ref, out_ref, si, sf):
    p = pl.program_id(0)
    b = pl.program_id(1)
    lab = lab_ref[...]
    neg = lab == 0

    @pl.when((p == 0) & (b == 0))
    def _():
        si[0] = 0

    @pl.when(p == 0)
    def _():
        si[0] = si[0] + jnp.sum((lab != 0).astype(jnp.int32))

    @pl.when((p >= 1) & (p <= 33) & (b == 0))
    def _():
        k = si[0] * _OHEM

        @pl.when(p == 1)
        def _():
            si[2] = 0

        @pl.when(p >= 2)
        def _():
            prevbit = jnp.left_shift(jnp.int32(1), 33 - p)
            si[2] = jnp.where(si[1] >= k, si[2] | prevbit, si[2])
        si[1] = 0

    @pl.when((p >= 1) & (p <= 32))
    def _():
        bit = jnp.left_shift(jnp.int32(1), 32 - p)
        scand = (si[2] | bit) ^ jnp.int32(_MININT)
        skey = _skey(p1_ref[...])
        si[1] = si[1] + jnp.sum((neg & (skey >= scand)).astype(jnp.int32))

    @pl.when((p == 33) & (b == 0))
    def _():
        k = si[0] * _OHEM
        ts = si[2] ^ jnp.int32(_MININT)
        si[4] = jnp.where(k == 0, jnp.int32(_MININT), ts)
        si[3] = 0
        sf[0] = 0.0

    @pl.when(p == 33)
    def _():
        p0 = p0_ref[...]
        p1 = p1_ref[...]
        skey = _skey(p1)
        m = (skey >= si[4]) | (lab != 0)
        mx = jnp.maximum(p0, p1)
        lse = mx + jnp.log(jnp.exp(p0 - mx) + jnp.exp(p1 - mx))
        nll = lse - jnp.where(lab == 0, p0, p1)
        sf[0] = sf[0] + jnp.sum(jnp.where(m, nll, 0.0))
        si[3] = si[3] + jnp.sum(m.astype(jnp.int32))

        @pl.when(b == _NBLK - 1)
        def _():
            out_ref[0] = sf[0] / jnp.maximum(si[3], 1).astype(jnp.float32)


def _rare(pred, label):
    p0 = pred[:, 0].reshape(_RB, 128)
    p1 = pred[:, 1].reshape(_RB, 128)
    lab = label.reshape(_RB, 128)
    out = pl.pallas_call(
        _rare_body,
        grid=(34, _NBLK),
        in_specs=[pl.BlockSpec((_RPB, 128), lambda p, b: (b, 0))] * 3,
        out_specs=pl.BlockSpec(memory_space=pltpu.MemorySpace.SMEM),
        out_shape=jax.ShapeDtypeStruct((1,), jnp.float32),
        scratch_shapes=[pltpu.SMEM((8,), jnp.int32),
                        pltpu.SMEM((4,), jnp.float32)],
    )(p0, p1, lab)
    return out[0]


def kernel(pred, label):
    p0 = lax.slice(pred, (0, 0), (_N, 1)).reshape(_N)
    p1 = lax.slice(pred, (0, 1), (_N, 2)).reshape(_N)
    parts = _make_sc_reduce()(p0, p1, label)
    sums = jnp.sum(parts.reshape(_NW, 2, _L), axis=(0, 2))
    sum_nll = sums[0]
    pos_num = sums[1].astype(jnp.int32)
    n_neg = jnp.int32(_N) - pos_num
    return lax.cond(n_neg > pos_num * _OHEM,
                    lambda: _rare(pred, label),
                    lambda: sum_nll / jnp.float32(_N))

# --- scband reference (transcript-rebuilt; emitter-appended) ---
"""Pipeline reference for scband-ohemloss-71055938945250 (READ-ONLY COPY).

The authoritative reference and input builder live on the scoring server;
editing this copy changes nothing except your own understanding.
"""

import jax, jax.numpy as jnp
import numpy as np

OHEM = 3
N = 1048576
C = 2

def setup_inputs(seed: int = 0):
    key = jax.random.key(seed)
    k1, k2 = jax.random.split(key)
    pred = jax.random.normal(k1, (N, C), dtype=jnp.float32)
    label = jax.random.randint(k2, (N,), 0, C, dtype=jnp.int32)
    return {"pred": pred, "label": label}

def _ohem_mask(pred, label, ohem):
    pos_num = jnp.sum(label != 0)
    neg_sum = pos_num * ohem
    pred_value = jnp.max(pred[:, 1:], axis=1)
    neg_mask = label == 0
    n_neg = jnp.sum(neg_mask)
    # negatives' -scores sorted ascending; positives pushed to the end with +inf
    neg_score_sorted = jnp.sort(jnp.where(neg_mask, -pred_value, jnp.inf))
    idx = (neg_sum - 1) % neg_score_sorted.shape[0]
    threshold = -neg_score_sorted[idx]
    mask_thresholded = (pred_value >= threshold) | (label != 0)
    mask_all = label != -1
    return jnp.where(n_neg > neg_sum, mask_thresholded, mask_all)

def _cross_entropy_ignore(pred, mask_label):
    # nn.CrossEntropyLoss(ignore_index=-100), mean over non-ignored
    valid = mask_label != -100
    safe = jnp.where(valid, mask_label, 0)
    logp = jax.nn.log_softmax(pred, axis=-1)
    nll = -jnp.take_along_axis(logp, safe[:, None], axis=1)[:, 0]
    denom = jnp.maximum(jnp.sum(valid), 1).astype(jnp.float32)
    return jnp.sum(jnp.where(valid, nll, 0.0)) / denom

def reference(pred, label):
    mask = _ohem_mask(pred, label, OHEM)
    mask_label = jnp.where(mask, label, -100)
    return _cross_entropy_ignore(pred, mask_label)

if __name__ == "__main__":
    import jax
    _d = setup_inputs()
    print(jax.jit(kernel)(*tuple(_d.values())))

</pallas_src>

<mosaic_0001>
#map = affine_map<(d0, d1) -> (0)>
#map1 = affine_map<(d0, d1) -> (0, 0)>
module attributes {stable_mosaic.version = 14 : i64} {
  func.func @_sc_reduce_body(%arg0: i32, %arg1: i32, %arg2: memref<1048576xf32, #tpu.memory_space<hbm>>, %arg3: memref<1048576xf32, #tpu.memory_space<hbm>>, %arg4: memref<1048576xi32, #tpu.memory_space<hbm>>, %arg5: memref<32x32xf32, #tpu.memory_space<hbm>>, %arg6: memref<8192xf32, #tpu.memory_space<vmem>>, %arg7: memref<8192xf32, #tpu.memory_space<vmem>>, %arg8: memref<8192xf32, #tpu.memory_space<vmem>>, %arg9: memref<8192xf32, #tpu.memory_space<vmem>>, %arg10: memref<8192xi32, #tpu.memory_space<vmem>>, %arg11: memref<8192xi32, #tpu.memory_space<vmem>>, %arg12: memref<32xf32, #tpu.memory_space<vmem>>, %arg13: memref<!tpu.dma_semaphore, #tpu.memory_space<semaphore_mem>>, %arg14: memref<!tpu.dma_semaphore, #tpu.memory_space<semaphore_mem>>) attributes {dimension_semantics = [#tpu.dimension_semantics<core_parallel>, #tpu.dimension_semantics<subcore_parallel>], iteration_bounds = array<i64: 2, 16>, scalar_prefetch = 0 : i64, scratch_operands = 9 : i64, tpu.core_type = #tpu.core_type<sc_vector_subcore>, window_params = [{transform_indices = #map}, {transform_indices = #map}, {transform_indices = #map}, {transform_indices = #map1}]} {
    %mul3A = arith.constant 2 : i32
    %mul3A_0 = arith.muli %arg1, %mul3A : i32
    %add3A = arith.addi %mul3A_0, %arg0 : i32
    %mul3A_1 = arith.constant 32768 : i32
    %mul3A_2 = arith.muli %add3A, %mul3A_1 : i32
    %broadcast_in_dim3A = arith.constant 0.000000e+00 : f32
    %broadcast_in_dim3A_3 = vector.broadcast %broadcast_in_dim3A : f32 to vector<16xf32>
    %broadcast_in_dim3A_4 = arith.constant 1.000000e+00 : f32
    %broadcast_in_dim3A_5 = vector.broadcast %broadcast_in_dim3A_4 : f32 to vector<16xf32>
    %broadcast_in_dim3A_6 = arith.constant 0.000000e+00 : f32
    %broadcast_in_dim3A_7 = vector.broadcast %broadcast_in_dim3A_6 : f32 to vector<16xf32>
    %broadcast_in_dim3A_8 = arith.constant 0.000000e+00 : f32
    %broadcast_in_dim3A_9 = vector.broadcast %broadcast_in_dim3A_8 : f32 to vector<16xf32>
    %add3A_10 = arith.constant 0 : i32
    %add3A_11 = arith.addi %mul3A_2, %add3A_10 : i32
    %dma_start3A = tpu.memref_slice %arg2[%add3A_11] : memref<1048576xf32, #tpu.memory_space<hbm>> -> memref<8192xf32, #tpu.memory_space<hbm>>
    %dma_start3A_12 = tpu.memref_slice %arg2[%add3A_11] : memref<1048576xf32, #tpu.memory_space<hbm>> -> memref<8192xf32, #tpu.memory_space<hbm>>
    tpu.enqueue_dma source(%dma_start3A_12 : memref<8192xf32, #tpu.memory_space<hbm>>) target(%arg6 : memref<8192xf32, #tpu.memory_space<vmem>>) target_semaphore(%arg13 : memref<!tpu.dma_semaphore, #tpu.memory_space<semaphore_mem>>)
    %dma_start3A_13 = tpu.memref_slice %arg3[%add3A_11] : memref<1048576xf32, #tpu.memory_space<hbm>> -> memref<8192xf32, #tpu.memory_space<hbm>>
    %dma_start3A_14 = tpu.memref_slice %arg3[%add3A_11] : memref<1048576xf32, #tpu.memory_space<hbm>> -> memref<8192xf32, #tpu.memory_space<hbm>>
    tpu.enqueue_dma source(%dma_start3A_14 : memref<8192xf32, #tpu.memory_space<hbm>>) target(%arg8 : memref<8192xf32, #tpu.memory_space<vmem>>) target_semaphore(%arg13 : memref<!tpu.dma_semaphore, #tpu.memory_space<semaphore_mem>>)
    %dma_start3A_15 = tpu.memref_slice %arg4[%add3A_11] : memref<1048576xi32, #tpu.memory_space<hbm>> -> memref<8192xi32, #tpu.memory_space<hbm>>
    %dma_start3A_16 = tpu.memref_slice %arg4[%add3A_11] : memref<1048576xi32, #tpu.memory_space<hbm>> -> memref<8192xi32, #tpu.memory_space<hbm>>
    tpu.enqueue_dma source(%dma_start3A_16 : memref<8192xi32, #tpu.memory_space<hbm>>) target(%arg10 : memref<8192xi32, #tpu.memory_space<vmem>>) target_semaphore(%arg13 : memref<!tpu.dma_semaphore, #tpu.memory_space<semaphore_mem>>)
    %add3A_17 = arith.constant 8192 : i32
    %add3A_18 = arith.addi %mul3A_2, %add3A_17 : i32
    %dma_start3A_19 = tpu.memref_slice %arg2[%add3A_18] : memref<1048576xf32, #tpu.memory_space<hbm>> -> memref<8192xf32, #tpu.memory_space<hbm>>
    %dma_start3A_20 = tpu.memref_slice %arg2[%add3A_18] : memref<1048576xf32, #tpu.memory_space<hbm>> -> memref<8192xf32, #tpu.memory_space<hbm>>
    tpu.enqueue_dma source(%dma_start3A_20 : memref<8192xf32, #tpu.memory_space<hbm>>) target(%arg7 : memref<8192xf32, #tpu.memory_space<vmem>>) target_semaphore(%arg14 : memref<!tpu.dma_semaphore, #tpu.memory_space<semaphore_mem>>)
    %dma_start3A_21 = tpu.memref_slice %arg3[%add3A_18] : memref<1048576xf32, #tpu.memory_space<hbm>> -> memref<8192xf32, #tpu.memory_space<hbm>>
    %dma_start3A_22 = tpu.memref_slice %arg3[%add3A_18] : memref<1048576xf32, #tpu.memory_space<hbm>> -> memref<8192xf32, #tpu.memory_space<hbm>>
    tpu.enqueue_dma source(%dma_start3A_22 : memref<8192xf32, #tpu.memory_space<hbm>>) target(%arg9 : memref<8192xf32, #tpu.memory_space<vmem>>) target_semaphore(%arg14 : memref<!tpu.dma_semaphore, #tpu.memory_space<semaphore_mem>>)
    %dma_start3A_23 = tpu.memref_slice %arg4[%add3A_18] : memref<1048576xi32, #tpu.memory_space<hbm>> -> memref<8192xi32, #tpu.memory_space<hbm>>
    %dma_start3A_24 = tpu.memref_slice %arg4[%add3A_18] : memref<1048576xi32, #tpu.memory_space<hbm>> -> memref<8192xi32, #tpu.memory_space<hbm>>
    tpu.enqueue_dma source(%dma_start3A_24 : memref<8192xi32, #tpu.memory_space<hbm>>) target(%arg11 : memref<8192xi32, #tpu.memory_space<vmem>>) target_semaphore(%arg14 : memref<!tpu.dma_semaphore, #tpu.memory_space<semaphore_mem>>)
    %add3A_25 = arith.constant 0 : i32
    %add3A_26 = arith.addi %mul3A_2, %add3A_25 : i32
    %dma_wait3A = tpu.memref_slice %arg2[%add3A_26] : memref<1048576xf32, #tpu.memory_space<hbm>> -> memref<8192xf32, #tpu.memory_space<hbm>>
    %dma_wait3A_27 = tpu.memref_slice %arg2[%add3A_26] : memref<1048576xf32, #tpu.memory_space<hbm>> -> memref<8192xf32, #tpu.memory_space<hbm>>
    tpu.wait_dma2 semaphore(%arg13 : memref<!tpu.dma_semaphore, #tpu.memory_space<semaphore_mem>>) src(%dma_wait3A_27 : memref<8192xf32, #tpu.memory_space<hbm>>) dst(%arg6 : memref<8192xf32, #tpu.memory_space<vmem>>)
    %dma_wait3A_28 = tpu.memref_slice %arg3[%add3A_26] : memref<1048576xf32, #tpu.memory_space<hbm>> -> memref<8192xf32, #tpu.memory_space<hbm>>
    %dma_wait3A_29 = tpu.memref_slice %arg3[%add3A_26] : memref<1048576xf32, #tpu.memory_space<hbm>> -> memref<8192xf32, #tpu.memory_space<hbm>>
    tpu.wait_dma2 semaphore(%arg13 : memref<!tpu.dma_semaphore, #tpu.memory_space<semaphore_mem>>) src(%dma_wait3A_29 : memref<8192xf32, #tpu.memory_space<hbm>>) dst(%arg8 : memref<8192xf32, #tpu.memory_space<vmem>>)
    %dma_wait3A_30 = tpu.memref_slice %arg4[%add3A_26] : memref<1048576xi32, #tpu.memory_space<hbm>> -> memref<8192xi32, #tpu.memory_space<hbm>>
    %dma_wait3A_31 = tpu.memref_slice %arg4[%add3A_26] : memref<1048576xi32, #tpu.memory_space<hbm>> -> memref<8192xi32, #tpu.memory_space<hbm>>
    tpu.wait_dma2 semaphore(%arg13 : memref<!tpu.dma_semaphore, #tpu.memory_space<semaphore_mem>>) src(%dma_wait3A_31 : memref<8192xi32, #tpu.memory_space<hbm>>) dst(%arg10 : memref<8192xi32, #tpu.memory_space<vmem>>)
    %scan3A = arith.constant 0 : i32
    %scan3A_32 = arith.constant 512 : i32
    %scan3A_33 = arith.addi %scan3A, %scan3A_32 : i32
    %scan3A_34 = arith.constant 1 : i32
    %scan3A_35:2 = scf.for %scan3A_98 = %scan3A to %scan3A_33 step %scan3A_34 iter_args(%scan3A_99 = %broadcast_in_dim3A_7, %scan3A_100 = %broadcast_in_dim3A_9) -> (vector<16xf32>, vector<16xf32>)  : i32 {
      %mul3A_101 = arith.constant 16 : i32
      %mul3A_102 = arith.muli %scan3A_98, %mul3A_101 : i32
      %get3A = arith.index_cast %mul3A_102 : i32 to index
      %get3A_103 = tpu.vector_load %arg8[%get3A] {strides = array<i32>} : memref<8192xf32, #tpu.memory_space<vmem>>, vector<16xf32>,
      %mul3A_104 = arith.constant 16 : i32
      %mul3A_105 = arith.muli %scan3A_98, %mul3A_104 : i32
      %get3A_106 = arith.index_cast %mul3A_105 : i32 to index
      %get3A_107 = tpu.vector_load %arg6[%get3A_106] {strides = array<i32>} : memref<8192xf32, #tpu.memory_space<vmem>>, vector<16xf32>,
      %sub3A = arith.subf %get3A_103, %get3A_107 : vector<16xf32>
      %mul3A_108 = arith.constant 16 : i32
      %mul3A_109 = arith.muli %scan3A_98, %mul3A_108 : i32
      %get3A_110 = arith.index_cast %mul3A_109 : i32 to index
      %get3A_111 = tpu.vector_load %arg10[%get3A_110] {strides = array<i32>} : memref<8192xi32, #tpu.memory_space<vmem>>, vector<16xi32>,
      %abs3A = math.absf %sub3A : vector<16xf32>
      %neg3A = arith.constant 0.000000e+00 : f32
      %neg3A_112 = vector.broadcast %neg3A : f32 to vector<16xf32>
      %neg3A_113 = arith.subf %neg3A_112, %abs3A : vector<16xf32>
      %exp3A = math.exp %neg3A_113 : vector<16xf32>
      %broadcast_in_dim3A_114 = arith.constant -0.0174141172 : f32
      %broadcast_in_dim3A_115 = vector.broadcast %broadcast_in_dim3A_114 : f32 to vector<16xf32>
      %mul3A_116 = arith.mulf %broadcast_in_dim3A_115, %exp3A : vector<16xf32>
      %broadcast_in_dim3A_117 = arith.constant 0.0826914235 : f32
      %broadcast_in_dim3A_118 = vector.broadcast %broadcast_in_dim3A_117 : f32 to vector<16xf32>
      %add3A_119 = arith.addf %mul3A_116, %broadcast_in_dim3A_118 : vector<16xf32>
      %mul3A_120 = arith.mulf %add3A_119, %exp3A : vector<16xf32>
      %broadcast_in_dim3A_121 = arith.constant -0.19035463 : f32
      %broadcast_in_dim3A_122 = vector.broadcast %broadcast_in_dim3A_121 : f32 to vector<16xf32>
      %add3A_123 = arith.addf %mul3A_120, %broadcast_in_dim3A_122 : vector<16xf32>
      %mul3A_124 = arith.mulf %add3A_123, %exp3A : vector<16xf32>
      %broadcast_in_dim3A_125 = arith.constant 0.315747529 : f32
      %broadcast_in_dim3A_126 = vector.broadcast %broadcast_in_dim3A_125 : f32 to vector<16xf32>
      %add3A_127 = arith.addf %mul3A_124, %broadcast_in_dim3A_126 : vector<16xf32>
      %mul3A_128 = arith.mulf %add3A_127, %exp3A : vector<16xf32>
      %broadcast_in_dim3A_129 = arith.constant -0.497373283 : f32
      %broadcast_in_dim3A_130 = vector.broadcast %broadcast_in_dim3A_129 : f32 to vector<16xf32>
      %add3A_131 = arith.addf %mul3A_128, %broadcast_in_dim3A_130 : vector<16xf32>
      %mul3A_132 = arith.mulf %add3A_131, %exp3A : vector<16xf32>
      %broadcast_in_dim3A_133 = arith.constant 0.99984771 : f32
      %broadcast_in_dim3A_134 = vector.broadcast %broadcast_in_dim3A_133 : f32 to vector<16xf32>
      %add3A_135 = arith.addf %mul3A_132, %broadcast_in_dim3A_134 : vector<16xf32>
      %mul3A_136 = arith.mulf %add3A_135, %exp3A : vector<16xf32>
      %broadcast_in_dim3A_137 = arith.constant 1.47161393E-6 : f32
      %broadcast_in_dim3A_138 = vector.broadcast %broadcast_in_dim3A_137 : f32 to vector<16xf32>
      %add3A_139 = arith.addf %mul3A_136, %broadcast_in_dim3A_138 : vector<16xf32>
      %eq3A = arith.constant 0 : i32
      %eq3A_140 = vector.broadcast %eq3A : i32 to vector<16xi32>
      %eq3A_141 = arith.cmpi eq, %get3A_111, %eq3A_140 : vector<16xi32>
      %neg3A_142 = arith.constant 0.000000e+00 : f32
      %neg3A_143 = vector.broadcast %neg3A_142 : f32 to vector<16xf32>
      %neg3A_144 = arith.subf %neg3A_143, %sub3A : vector<16xf32>
      %select_n3A = arith.select %eq3A_141, %sub3A, %neg3A_144 : vector<16xi1>, vector<16xf32>
      %max3A = arith.maximumf %select_n3A, %broadcast_in_dim3A_3 : vector<16xf32>
      %add3A_145 = arith.addf %max3A, %add3A_139 : vector<16xf32>
      %add3A_146 = arith.addf %scan3A_99, %add3A_145 : vector<16xf32>
      %select_n3A_147 = arith.select %eq3A_141, %broadcast_in_dim3A_3, %broadcast_in_dim3A_5 : vector<16xi1>, vector<16xf32>
      %add3A_148 = arith.addf %scan3A_100, %select_n3A_147 : vector<16xf32>
      scf.yield %add3A_146, %add3A_148 : vector<16xf32>, vector<16xf32>
    }
    %scan3A_36 = arith.constant 512 : i32
    %add3A_37 = arith.constant 16384 : i32
    %add3A_38 = arith.addi %mul3A_2, %add3A_37 : i32
    %dma_start3A_39 = tpu.memref_slice %arg2[%add3A_38] : memref<1048576xf32, #tpu.memory_space<hbm>> -> memref<8192xf32, #tpu.memory_space<hbm>>
    %dma_start3A_40 = tpu.memref_slice %arg2[%add3A_38] : memref<1048576xf32, #tpu.memory_space<hbm>> -> memref<8192xf32, #tpu.memory_space<hbm>>
    tpu.enqueue_dma source(%dma_start3A_40 : memref<8192xf32, #tpu.memory_space<hbm>>) target(%arg6 : memref<8192xf32, #tpu.memory_space<vmem>>) target_semaphore(%arg13 : memref<!tpu.dma_semaphore, #tpu.memory_space<semaphore_mem>>)
    %dma_start3A_41 = tpu.memref_slice %arg3[%add3A_38] : memref<1048576xf32, #tpu.memory_space<hbm>> -> memref<8192xf32, #tpu.memory_space<hbm>>
    %dma_start3A_42 = tpu.memref_slice %arg3[%add3A_38] : memref<1048576xf32, #tpu.memory_space<hbm>> -> memref<8192xf32, #tpu.memory_space<hbm>>
    tpu.enqueue_dma source(%dma_start3A_42 : memref<8192xf32, #tpu.memory_space<hbm>>) target(%arg8 : memref<8192xf32, #tpu.memory_space<vmem>>) target_semaphore(%arg13 : memref<!tpu.dma_semaphore, #tpu.memory_space<semaphore_mem>>)
    %dma_start3A_43 = tpu.memref_slice %arg4[%add3A_38] : memref<1048576xi32, #tpu.memory_space<hbm>> -> memref<8192xi32, #tpu.memory_space<hbm>>
    %dma_start3A_44 = tpu.memref_slice %arg4[%add3A_38] : memref<1048576xi32, #tpu.memory_space<hbm>> -> memref<8192xi32, #tpu.memory_space<hbm>>
    tpu.enqueue_dma source(%dma_start3A_44 : memref<8192xi32, #tpu.memory_space<hbm>>) target(%arg10 : memref<8192xi32, #tpu.memory_space<vmem>>) target_semaphore(%arg13 : memref<!tpu.dma_semaphore, #tpu.memory_space<semaphore_mem>>)
    %add3A_45 = arith.constant 8192 : i32
    %add3A_46 = arith.addi %mul3A_2, %add3A_45 : i32
    %dma_wait3A_47 = tpu.memref_slice %arg2[%add3A_46] : memref<1048576xf32, #tpu.memory_space<hbm>> -> memref<8192xf32, #tpu.memory_space<hbm>>
    %dma_wait3A_48 = tpu.memref_slice %arg2[%add3A_46] : memref<1048576xf32, #tpu.memory_space<hbm>> -> memref<8192xf32, #tpu.memory_space<hbm>>
    tpu.wait_dma2 semaphore(%arg14 : memref<!tpu.dma_semaphore, #tpu.memory_space<semaphore_mem>>) src(%dma_wait3A_48 : memref<8192xf32, #tpu.memory_space<hbm>>) dst(%arg7 : memref<8192xf32, #tpu.memory_space<vmem>>)
    %dma_wait3A_49 = tpu.memref_slice %arg3[%add3A_46] : memref<1048576xf32, #tpu.memory_space<hbm>> -> memref<8192xf32, #tpu.memory_space<hbm>>
    %dma_wait3A_50 = tpu.memref_slice %arg3[%add3A_46] : memref<1048576xf32, #tpu.memory_space<hbm>> -> memref<8192xf32, #tpu.memory_space<hbm>>
    tpu.wait_dma2 semaphore(%arg14 : memref<!tpu.dma_semaphore, #tpu.memory_space<semaphore_mem>>) src(%dma_wait3A_50 : memref<8192xf32, #tpu.memory_space<hbm>>) dst(%arg9 : memref<8192xf32, #tpu.memory_space<vmem>>)
    %dma_wait3A_51 = tpu.memref_slice %arg4[%add3A_46] : memref<1048576xi32, #tpu.memory_space<hbm>> -> memref<8192xi32, #tpu.memory_space<hbm>>
    %dma_wait3A_52 = tpu.memref_slice %arg4[%add3A_46] : memref<1048576xi32, #tpu.memory_space<hbm>> -> memref<8192xi32, #tpu.memory_space<hbm>>
    tpu.wait_dma2 semaphore(%arg14 : memref<!tpu.dma_semaphore, #tpu.memory_space<semaphore_mem>>) src(%dma_wait3A_52 : memref<8192xi32, #tpu.memory_space<hbm>>) dst(%arg11 : memref<8192xi32, #tpu.memory_space<vmem>>)
    %scan3A_53 = arith.constant 0 : i32
    %scan3A_54 = arith.constant 512 : i32
    %scan3A_55 = arith.addi %scan3A_53, %scan3A_54 : i32
    %scan3A_56 = arith.constant 1 : i32
    %scan3A_57:2 = scf.for %scan3A_98 = %scan3A_53 to %scan3A_55 step %scan3A_56 iter_args(%scan3A_99 = %scan3A_35#0, %scan3A_100 = %scan3A_35#1) -> (vector<16xf32>, vector<16xf32>)  : i32 {
      %mul3A_101 = arith.constant 16 : i32
      %mul3A_102 = arith.muli %scan3A_98, %mul3A_101 : i32
      %get3A = arith.index_cast %mul3A_102 : i32 to index
      %get3A_103 = tpu.vector_load %arg9[%get3A] {strides = array<i32>} : memref<8192xf32, #tpu.memory_space<vmem>>, vector<16xf32>,
      %mul3A_104 = arith.constant 16 : i32
      %mul3A_105 = arith.muli %scan3A_98, %mul3A_104 : i32
      %get3A_106 = arith.index_cast %mul3A_105 : i32 to index
      %get3A_107 = tpu.vector_load %arg7[%get3A_106] {strides = array<i32>} : memref<8192xf32, #tpu.memory_space<vmem>>, vector<16xf32>,
      %sub3A = arith.subf %get3A_103, %get3A_107 : vector<16xf32>
      %mul3A_108 = arith.constant 16 : i32
      %mul3A_109 = arith.muli %scan3A_98, %mul3A_108 : i32
      %get3A_110 = arith.index_cast %mul3A_109 : i32 to index
      %get3A_111 = tpu.vector_load %arg11[%get3A_110] {strides = array<i32>} : memref<8192xi32, #tpu.memory_space<vmem>>, vector<16xi32>,
      %abs3A = math.absf %sub3A : vector<16xf32>
      %neg3A = arith.constant 0.000000e+00 : f32
      %neg3A_112 = vector.broadcast %neg3A : f32 to vector<16xf32>
      %neg3A_113 = arith.subf %neg3A_112, %abs3A : vector<16xf32>
      %exp3A = math.exp %neg3A_113 : vector<16xf32>
      %broadcast_in_dim3A_114 = arith.constant -0.0174141172 : f32
      %broadcast_in_dim3A_115 = vector.broadcast %broadcast_in_dim3A_114 : f32 to vector<16xf32>
      %mul3A_116 = arith.mulf %broadcast_in_dim3A_115, %exp3A : vector<16xf32>
      %broadcast_in_dim3A_117 = arith.constant 0.0826914235 : f32
      %broadcast_in_dim3A_118 = vector.broadcast %broadcast_in_dim3A_117 : f32 to vector<16xf32>
      %add3A_119 = arith.addf %mul3A_116, %broadcast_in_dim3A_118 : vector<16xf32>
      %mul3A_120 = arith.mulf %add3A_119, %exp3A : vector<16xf32>
      %broadcast_in_dim3A_121 = arith.constant -0.19035463 : f32
      %broadcast_in_dim3A_122 = vector.broadcast %broadcast_in_dim3A_121 : f32 to vector<16xf32>
      %add3A_123 = arith.addf %mul3A_120, %broadcast_in_dim3A_122 : vector<16xf32>
      %mul3A_124 = arith.mulf %add3A_123, %exp3A : vector<16xf32>
      %broadcast_in_dim3A_125 = arith.constant 0.315747529 : f32
      %broadcast_in_dim3A_126 = vector.broadcast %broadcast_in_dim3A_125 : f32 to vector<16xf32>
      %add3A_127 = arith.addf %mul3A_124, %broadcast_in_dim3A_126 : vector<16xf32>
      %mul3A_128 = arith.mulf %add3A_127, %exp3A : vector<16xf32>
      %broadcast_in_dim3A_129 = arith.constant -0.497373283 : f32
      %broadcast_in_dim3A_130 = vector.broadcast %broadcast_in_dim3A_129 : f32 to vector<16xf32>
      %add3A_131 = arith.addf %mul3A_128, %broadcast_in_dim3A_130 : vector<16xf32>
      %mul3A_132 = arith.mulf %add3A_131, %exp3A : vector<16xf32>
      %broadcast_in_dim3A_133 = arith.constant 0.99984771 : f32
      %broadcast_in_dim3A_134 = vector.broadcast %broadcast_in_dim3A_133 : f32 to vector<16xf32>
      %add3A_135 = arith.addf %mul3A_132, %broadcast_in_dim3A_134 : vector<16xf32>
      %mul3A_136 = arith.mulf %add3A_135, %exp3A : vector<16xf32>
      %broadcast_in_dim3A_137 = arith.constant 1.47161393E-6 : f32
      %broadcast_in_dim3A_138 = vector.broadcast %broadcast_in_dim3A_137 : f32 to vector<16xf32>
      %add3A_139 = arith.addf %mul3A_136, %broadcast_in_dim3A_138 : vector<16xf32>
      %eq3A = arith.constant 0 : i32
      %eq3A_140 = vector.broadcast %eq3A : i32 to vector<16xi32>
      %eq3A_141 = arith.cmpi eq, %get3A_111, %eq3A_140 : vector<16xi32>
      %neg3A_142 = arith.constant 0.000000e+00 : f32
      %neg3A_143 = vector.broadcast %neg3A_142 : f32 to vector<16xf32>
      %neg3A_144 = arith.subf %neg3A_143, %sub3A : vector<16xf32>
      %select_n3A = arith.select %eq3A_141, %sub3A, %neg3A_144 : vector<16xi1>, vector<16xf32>
      %max3A = arith.maximumf %select_n3A, %broadcast_in_dim3A_3 : vector<16xf32>
      %add3A_145 = arith.addf %max3A, %add3A_139 : vector<16xf32>
      %add3A_146 = arith.addf %scan3A_99, %add3A_145 : vector<16xf32>
      %select_n3A_147 = arith.select %eq3A_141, %broadcast_in_dim3A_3, %broadcast_in_dim3A_5 : vector<16xi1>, vector<16xf32>
      %add3A_148 = arith.addf %scan3A_100, %select_n3A_147 : vector<16xf32>
      scf.yield %add3A_146, %add3A_148 : vector<16xf32>, vector<16xf32>
    }
    %scan3A_58 = arith.constant 512 : i32
    %add3A_59 = arith.constant 24576 : i32
    %add3A_60 = arith.addi %mul3A_2, %add3A_59 : i32
    %dma_start3A_61 = tpu.memref_slice %arg2[%add3A_60] : memref<1048576xf32, #tpu.memory_space<hbm>> -> memref<8192xf32, #tpu.memory_space<hbm>>
    %dma_start3A_62 = tpu.memref_slice %arg2[%add3A_60] : memref<1048576xf32, #tpu.memory_space<hbm>> -> memref<8192xf32, #tpu.memory_space<hbm>>
    tpu.enqueue_dma source(%dma_start3A_62 : memref<8192xf32, #tpu.memory_space<hbm>>) target(%arg7 : memref<8192xf32, #tpu.memory_space<vmem>>) target_semaphore(%arg14 : memref<!tpu.dma_semaphore, #tpu.memory_space<semaphore_mem>>)
    %dma_start3A_63 = tpu.memref_slice %arg3[%add3A_60] : memref<1048576xf32, #tpu.memory_space<hbm>> -> memref<8192xf32, #tpu.memory_space<hbm>>
    %dma_start3A_64 = tpu.memref_slice %arg3[%add3A_60] : memref<1048576xf32, #tpu.memory_space<hbm>> -> memref<8192xf32, #tpu.memory_space<hbm>>
    tpu.enqueue_dma source(%dma_start3A_64 : memref<8192xf32, #tpu.memory_space<hbm>>) target(%arg9 : memref<8192xf32, #tpu.memory_space<vmem>>) target_semaphore(%arg14 : memref<!tpu.dma_semaphore, #tpu.memory_space<semaphore_mem>>)
    %dma_start3A_65 = tpu.memref_slice %arg4[%add3A_60] : memref<1048576xi32, #tpu.memory_space<hbm>> -> memref<8192xi32, #tpu.memory_space<hbm>>
    %dma_start3A_66 = tpu.memref_slice %arg4[%add3A_60] : memref<1048576xi32, #tpu.memory_space<hbm>> -> memref<8192xi32, #tpu.memory_space<hbm>>
    tpu.enqueue_dma source(%dma_start3A_66 : memref<8192xi32, #tpu.memory_space<hbm>>) target(%arg11 : memref<8192xi32, #tpu.memory_space<vmem>>) target_semaphore(%arg14 : memref<!tpu.dma_semaphore, #tpu.memory_space<semaphore_mem>>)
    %add3A_67 = arith.constant 16384 : i32
    %add3A_68 = arith.addi %mul3A_2, %add3A_67 : i32
    %dma_wait3A_69 = tpu.memref_slice %arg2[%add3A_68] : memref<1048576xf32, #tpu.memory_space<hbm>> -> memref<8192xf32, #tpu.memory_space<hbm>>
    %dma_wait3A_70 = tpu.memref_slice %arg2[%add3A_68] : memref<1048576xf32, #tpu.memory_space<hbm>> -> memref<8192xf32, #tpu.memory_space<hbm>>
    tpu.wait_dma2 semaphore(%arg13 : memref<!tpu.dma_semaphore, #tpu.memory_space<semaphore_mem>>) src(%dma_wait3A_70 : memref<8192xf32, #tpu.memory_space<hbm>>) dst(%arg6 : memref<8192xf32, #tpu.memory_space<vmem>>)
    %dma_wait3A_71 = tpu.memref_slice %arg3[%add3A_68] : memref<1048576xf32, #tpu.memory_space<hbm>> -> memref<8192xf32, #tpu.memory_space<hbm>>
    %dma_wait3A_72 = tpu.memref_slice %arg3[%add3A_68] : memref<1048576xf32, #tpu.memory_space<hbm>> -> memref<8192xf32, #tpu.memory_space<hbm>>
    tpu.wait_dma2 semaphore(%arg13 : memref<!tpu.dma_semaphore, #tpu.memory_space<semaphore_mem>>) src(%dma_wait3A_72 : memref<8192xf32, #tpu.memory_space<hbm>>) dst(%arg8 : memref<8192xf32, #tpu.memory_space<vmem>>)
    %dma_wait3A_73 = tpu.memref_slice %arg4[%add3A_68] : memref<1048576xi32, #tpu.memory_space<hbm>> -> memref<8192xi32, #tpu.memory_space<hbm>>
    %dma_wait3A_74 = tpu.memref_slice %arg4[%add3A_68] : memref<1048576xi32, #tpu.memory_space<hbm>> -> memref<8192xi32, #tpu.memory_space<hbm>>
    tpu.wait_dma2 semaphore(%arg13 : memref<!tpu.dma_semaphore, #tpu.memory_space<semaphore_mem>>) src(%dma_wait3A_74 : memref<8192xi32, #tpu.memory_space<hbm>>) dst(%arg10 : memref<8192xi32, #tpu.memory_space<vmem>>)
    %scan3A_75 = arith.constant 0 : i32
    %scan3A_76 = arith.constant 512 : i32
    %scan3A_77 = arith.addi %scan3A_75, %scan3A_76 : i32
    %scan3A_78 = arith.constant 1 : i32
    %scan3A_79:2 = scf.for %scan3A_98 = %scan3A_75 to %scan3A_77 step %scan3A_78 iter_args(%scan3A_99 = %scan3A_57#0, %scan3A_100 = %scan3A_57#1) -> (vector<16xf32>, vector<16xf32>)  : i32 {
      %mul3A_101 = arith.constant 16 : i32
      %mul3A_102 = arith.muli %scan3A_98, %mul3A_101 : i32
      %get3A = arith.index_cast %mul3A_102 : i32 to index
      %get3A_103 = tpu.vector_load %arg8[%get3A] {strides = array<i32>} : memref<8192xf32, #tpu.memory_space<vmem>>, vector<16xf32>,
      %mul3A_104 = arith.constant 16 : i32
      %mul3A_105 = arith.muli %scan3A_98, %mul3A_104 : i32
      %get3A_106 = arith.index_cast %mul3A_105 : i32 to index
      %get3A_107 = tpu.vector_load %arg6[%get3A_106] {strides = array<i32>} : memref<8192xf32, #tpu.memory_space<vmem>>, vector<16xf32>,
      %sub3A = arith.subf %get3A_103, %get3A_107 : vector<16xf32>
      %mul3A_108 = arith.constant 16 : i32
      %mul3A_109 = arith.muli %scan3A_98, %mul3A_108 : i32
      %get3A_110 = arith.index_cast %mul3A_109 : i32 to index
      %get3A_111 = tpu.vector_load %arg10[%get3A_110] {strides = array<i32>} : memref<8192xi32, #tpu.memory_space<vmem>>, vector<16xi32>,
      %abs3A = math.absf %sub3A : vector<16xf32>
      %neg3A = arith.constant 0.000000e+00 : f32
      %neg3A_112 = vector.broadcast %neg3A : f32 to vector<16xf32>
      %neg3A_113 = arith.subf %neg3A_112, %abs3A : vector<16xf32>
      %exp3A = math.exp %neg3A_113 : vector<16xf32>
      %broadcast_in_dim3A_114 = arith.constant -0.0174141172 : f32
      %broadcast_in_dim3A_115 = vector.broadcast %broadcast_in_dim3A_114 : f32 to vector<16xf32>
      %mul3A_116 = arith.mulf %broadcast_in_dim3A_115, %exp3A : vector<16xf32>
      %broadcast_in_dim3A_117 = arith.constant 0.0826914235 : f32
      %broadcast_in_dim3A_118 = vector.broadcast %broadcast_in_dim3A_117 : f32 to vector<16xf32>
      %add3A_119 = arith.addf %mul3A_116, %broadcast_in_dim3A_118 : vector<16xf32>
      %mul3A_120 = arith.mulf %add3A_119, %exp3A : vector<16xf32>
      %broadcast_in_dim3A_121 = arith.constant -0.19035463 : f32
      %broadcast_in_dim3A_122 = vector.broadcast %broadcast_in_dim3A_121 : f32 to vector<16xf32>
      %add3A_123 = arith.addf %mul3A_120, %broadcast_in_dim3A_122 : vector<16xf32>
      %mul3A_124 = arith.mulf %add3A_123, %exp3A : vector<16xf32>
      %broadcast_in_dim3A_125 = arith.constant 0.315747529 : f32
      %broadcast_in_dim3A_126 = vector.broadcast %broadcast_in_dim3A_125 : f32 to vector<16xf32>
      %add3A_127 = arith.addf %mul3A_124, %broadcast_in_dim3A_126 : vector<16xf32>
      %mul3A_128 = arith.mulf %add3A_127, %exp3A : vector<16xf32>
      %broadcast_in_dim3A_129 = arith.constant -0.497373283 : f32
      %broadcast_in_dim3A_130 = vector.broadcast %broadcast_in_dim3A_129 : f32 to vector<16xf32>
      %add3A_131 = arith.addf %mul3A_128, %broadcast_in_dim3A_130 : vector<16xf32>
      %mul3A_132 = arith.mulf %add3A_131, %exp3A : vector<16xf32>
      %broadcast_in_dim3A_133 = arith.constant 0.99984771 : f32
      %broadcast_in_dim3A_134 = vector.broadcast %broadcast_in_dim3A_133 : f32 to vector<16xf32>
      %add3A_135 = arith.addf %mul3A_132, %broadcast_in_dim3A_134 : vector<16xf32>
      %mul3A_136 = arith.mulf %add3A_135, %exp3A : vector<16xf32>
      %broadcast_in_dim3A_137 = arith.constant 1.47161393E-6 : f32
      %broadcast_in_dim3A_138 = vector.broadcast %broadcast_in_dim3A_137 : f32 to vector<16xf32>
      %add3A_139 = arith.addf %mul3A_136, %broadcast_in_dim3A_138 : vector<16xf32>
      %eq3A = arith.constant 0 : i32
      %eq3A_140 = vector.broadcast %eq3A : i32 to vector<16xi32>
      %eq3A_141 = arith.cmpi eq, %get3A_111, %eq3A_140 : vector<16xi32>
      %neg3A_142 = arith.constant 0.000000e+00 : f32
      %neg3A_143 = vector.broadcast %neg3A_142 : f32 to vector<16xf32>
      %neg3A_144 = arith.subf %neg3A_143, %sub3A : vector<16xf32>
      %select_n3A = arith.select %eq3A_141, %sub3A, %neg3A_144 : vector<16xi1>, vector<16xf32>
      %max3A = arith.maximumf %select_n3A, %broadcast_in_dim3A_3 : vector<16xf32>
      %add3A_145 = arith.addf %max3A, %add3A_139 : vector<16xf32>
      %add3A_146 = arith.addf %scan3A_99, %add3A_145 : vector<16xf32>
      %select_n3A_147 = arith.select %eq3A_141, %broadcast_in_dim3A_3, %broadcast_in_dim3A_5 : vector<16xi1>, vector<16xf32>
      %add3A_148 = arith.addf %scan3A_100, %select_n3A_147 : vector<16xf32>
      scf.yield %add3A_146, %add3A_148 : vector<16xf32>, vector<16xf32>
    }
    %scan3A_80 = arith.constant 512 : i32
    %add3A_81 = arith.constant 24576 : i32
    %add3A_82 = arith.addi %mul3A_2, %add3A_81 : i32
    %dma_wait3A_83 = tpu.memref_slice %arg2[%add3A_82] : memref<1048576xf32, #tpu.memory_space<hbm>> -> memref<8192xf32, #tpu.memory_space<hbm>>
    %dma_wait3A_84 = tpu.memref_slice %arg2[%add3A_82] : memref<1048576xf32, #tpu.memory_space<hbm>> -> memref<8192xf32, #tpu.memory_space<hbm>>
    tpu.wait_dma2 semaphore(%arg14 : memref<!tpu.dma_semaphore, #tpu.memory_space<semaphore_mem>>) src(%dma_wait3A_84 : memref<8192xf32, #tpu.memory_space<hbm>>) dst(%arg7 : memref<8192xf32, #tpu.memory_space<vmem>>)
    %dma_wait3A_85 = tpu.memref_slice %arg3[%add3A_82] : memref<1048576xf32, #tpu.memory_space<hbm>> -> memref<8192xf32, #tpu.memory_space<hbm>>
    %dma_wait3A_86 = tpu.memref_slice %arg3[%add3A_82] : memref<1048576xf32, #tpu.memory_space<hbm>> -> memref<8192xf32, #tpu.memory_space<hbm>>
    tpu.wait_dma2 semaphore(%arg14 : memref<!tpu.dma_semaphore, #tpu.memory_space<semaphore_mem>>) src(%dma_wait3A_86 : memref<8192xf32, #tpu.memory_space<hbm>>) dst(%arg9 : memref<8192xf32, #tpu.memory_space<vmem>>)
    %dma_wait3A_87 = tpu.memref_slice %arg4[%add3A_82] : memref<1048576xi32, #tpu.memory_space<hbm>> -> memref<8192xi32, #tpu.memory_space<hbm>>
    %dma_wait3A_88 = tpu.memref_slice %arg4[%add3A_82] : memref<1048576xi32, #tpu.memory_space<hbm>> -> memref<8192xi32, #tpu.memory_space<hbm>>
    tpu.wait_dma2 semaphore(%arg14 : memref<!tpu.dma_semaphore, #tpu.memory_space<semaphore_mem>>) src(%dma_wait3A_88 : memref<8192xi32, #tpu.memory_space<hbm>>) dst(%arg11 : memref<8192xi32, #tpu.memory_space<vmem>>)
    %scan3A_89 = arith.constant 0 : i32
    %scan3A_90 = arith.constant 512 : i32
    %scan3A_91 = arith.addi %scan3A_89, %scan3A_90 : i32
    %scan3A_92 = arith.constant 1 : i32
    %scan3A_93:2 = scf.for %scan3A_98 = %scan3A_89 to %scan3A_91 step %scan3A_92 iter_args(%scan3A_99 = %scan3A_79#0, %scan3A_100 = %scan3A_79#1) -> (vector<16xf32>, vector<16xf32>)  : i32 {
      %mul3A_101 = arith.constant 16 : i32
      %mul3A_102 = arith.muli %scan3A_98, %mul3A_101 : i32
      %get3A = arith.index_cast %mul3A_102 : i32 to index
      %get3A_103 = tpu.vector_load %arg9[%get3A] {strides = array<i32>} : memref<8192xf32, #tpu.memory_space<vmem>>, vector<16xf32>,
      %mul3A_104 = arith.constant 16 : i32
      %mul3A_105 = arith.muli %scan3A_98, %mul3A_104 : i32
      %get3A_106 = arith.index_cast %mul3A_105 : i32 to index
      %get3A_107 = tpu.vector_load %arg7[%get3A_106] {strides = array<i32>} : memref<8192xf32, #tpu.memory_space<vmem>>, vector<16xf32>,
      %sub3A = arith.subf %get3A_103, %get3A_107 : vector<16xf32>
      %mul3A_108 = arith.constant 16 : i32
      %mul3A_109 = arith.muli %scan3A_98, %mul3A_108 : i32
      %get3A_110 = arith.index_cast %mul3A_109 : i32 to index
      %get3A_111 = tpu.vector_load %arg11[%get3A_110] {strides = array<i32>} : memref<8192xi32, #tpu.memory_space<vmem>>, vector<16xi32>,
      %abs3A = math.absf %sub3A : vector<16xf32>
      %neg3A = arith.constant 0.000000e+00 : f32
      %neg3A_112 = vector.broadcast %neg3A : f32 to vector<16xf32>
      %neg3A_113 = arith.subf %neg3A_112, %abs3A : vector<16xf32>
      %exp3A = math.exp %neg3A_113 : vector<16xf32>
      %broadcast_in_dim3A_114 = arith.constant -0.0174141172 : f32
      %broadcast_in_dim3A_115 = vector.broadcast %broadcast_in_dim3A_114 : f32 to vector<16xf32>
      %mul3A_116 = arith.mulf %broadcast_in_dim3A_115, %exp3A : vector<16xf32>
      %broadcast_in_dim3A_117 = arith.constant 0.0826914235 : f32
      %broadcast_in_dim3A_118 = vector.broadcast %broadcast_in_dim3A_117 : f32 to vector<16xf32>
      %add3A_119 = arith.addf %mul3A_116, %broadcast_in_dim3A_118 : vector<16xf32>
      %mul3A_120 = arith.mulf %add3A_119, %exp3A : vector<16xf32>
      %broadcast_in_dim3A_121 = arith.constant -0.19035463 : f32
      %broadcast_in_dim3A_122 = vector.broadcast %broadcast_in_dim3A_121 : f32 to vector<16xf32>
      %add3A_123 = arith.addf %mul3A_120, %broadcast_in_dim3A_122 : vector<16xf32>
      %mul3A_124 = arith.mulf %add3A_123, %exp3A : vector<16xf32>
      %broadcast_in_dim3A_125 = arith.constant 0.315747529 : f32
      %broadcast_in_dim3A_126 = vector.broadcast %broadcast_in_dim3A_125 : f32 to vector<16xf32>
      %add3A_127 = arith.addf %mul3A_124, %broadcast_in_dim3A_126 : vector<16xf32>
      %mul3A_128 = arith.mulf %add3A_127, %exp3A : vector<16xf32>
      %broadcast_in_dim3A_129 = arith.constant -0.497373283 : f32
      %broadcast_in_dim3A_130 = vector.broadcast %broadcast_in_dim3A_129 : f32 to vector<16xf32>
      %add3A_131 = arith.addf %mul3A_128, %broadcast_in_dim3A_130 : vector<16xf32>
      %mul3A_132 = arith.mulf %add3A_131, %exp3A : vector<16xf32>
      %broadcast_in_dim3A_133 = arith.constant 0.99984771 : f32
      %broadcast_in_dim3A_134 = vector.broadcast %broadcast_in_dim3A_133 : f32 to vector<16xf32>
      %add3A_135 = arith.addf %mul3A_132, %broadcast_in_dim3A_134 : vector<16xf32>
      %mul3A_136 = arith.mulf %add3A_135, %exp3A : vector<16xf32>
      %broadcast_in_dim3A_137 = arith.constant 1.47161393E-6 : f32
      %broadcast_in_dim3A_138 = vector.broadcast %broadcast_in_dim3A_137 : f32 to vector<16xf32>
      %add3A_139 = arith.addf %mul3A_136, %broadcast_in_dim3A_138 : vector<16xf32>
      %eq3A = arith.constant 0 : i32
      %eq3A_140 = vector.broadcast %eq3A : i32 to vector<16xi32>
      %eq3A_141 = arith.cmpi eq, %get3A_111, %eq3A_140 : vector<16xi32>
      %neg3A_142 = arith.constant 0.000000e+00 : f32
      %neg3A_143 = vector.broadcast %neg3A_142 : f32 to vector<16xf32>
      %neg3A_144 = arith.subf %neg3A_143, %sub3A : vector<16xf32>
      %select_n3A = arith.select %eq3A_141, %sub3A, %neg3A_144 : vector<16xi1>, vector<16xf32>
      %max3A = arith.maximumf %select_n3A, %broadcast_in_dim3A_3 : vector<16xf32>
      %add3A_145 = arith.addf %max3A, %add3A_139 : vector<16xf32>
      %add3A_146 = arith.addf %scan3A_99, %add3A_145 : vector<16xf32>
      %select_n3A_147 = arith.select %eq3A_141, %broadcast_in_dim3A_3, %broadcast_in_dim3A_5 : vector<16xi1>, vector<16xf32>
      %add3A_148 = arith.addf %scan3A_100, %select_n3A_147 : vector<16xf32>
      scf.yield %add3A_146, %add3A_148 : vector<16xf32>, vector<16xf32>
    }
    %scan3A_94 = arith.constant 512 : i32
    %swap3A = arith.constant 0 : index
    %swap3A_95 = tpu.vector_load %arg12[%swap3A] {strides = array<i32>} : memref<32xf32, #tpu.memory_space<vmem>>, vector<16xf32>,
    tpu.vector_store %arg12[%swap3A], %scan3A_93#0 {strides = array<i32>} : memref<32xf32, #tpu.memory_space<vmem>>, vector<16xf32>,
    %swap3A_96 = arith.constant 16 : index
    %swap3A_97 = tpu.vector_load %arg12[%swap3A_96] {strides = array<i32>} : memref<32xf32, #tpu.memory_space<vmem>>, vector<16xf32>,
    tpu.vector_store %arg12[%swap3A_96], %scan3A_93#1 {strides = array<i32>} : memref<32xf32, #tpu.memory_space<vmem>>, vector<16xf32>,
    "tpu.region"() ({
      %run_scoped3A = tpu.sem_alloc : memref<!tpu.dma_semaphore, #tpu.memory_space<semaphore_mem>>
      %dma_start3A_98 = arith.constant 0 : i32
      %dma_start3A_99 = tpu.memref_slice %arg5[%add3A, %dma_start3A_98] : memref<32x32xf32, #tpu.memory_space<hbm>> -> memref<1x32xf32, #tpu.memory_space<hbm>>
      %dma_start3A_100 = tpu.memref_squeeze %dma_start3A_99 : memref<1x32xf32, #tpu.memory_space<hbm>> -> memref<32xf32, #tpu.memory_space<hbm>>
      %dma_start3A_101 = arith.constant 0 : i32
      %dma_start3A_102 = tpu.memref_slice %arg5[%add3A, %dma_start3A_101] : memref<32x32xf32, #tpu.memory_space<hbm>> -> memref<1x32xf32, #tpu.memory_space<hbm>>
      %dma_start3A_103 = tpu.memref_squeeze %dma_start3A_102 : memref<1x32xf32, #tpu.memory_space<hbm>> -> memref<32xf32, #tpu.memory_space<hbm>>
      tpu.enqueue_dma source(%arg12 : memref<32xf32, #tpu.memory_space<vmem>>) target(%dma_start3A_103 : memref<32xf32, #tpu.memory_space<hbm>>) target_semaphore(%run_scoped3A : memref<!tpu.dma_semaphore, #tpu.memory_space<semaphore_mem>>)
      %dma_wait3A_104 = arith.constant 0 : i32
      %dma_wait3A_105 = tpu.memref_slice %arg5[%add3A, %dma_wait3A_104] : memref<32x32xf32, #tpu.memory_space<hbm>> -> memref<1x32xf32, #tpu.memory_space<hbm>>
      %dma_wait3A_106 = tpu.memref_squeeze %dma_wait3A_105 : memref<1x32xf32, #tpu.memory_space<hbm>> -> memref<32xf32, #tpu.memory_space<hbm>>
      %dma_wait3A_107 = arith.constant 0 : i32
      %dma_wait3A_108 = tpu.memref_slice %arg5[%add3A, %dma_wait3A_107] : memref<32x32xf32, #tpu.memory_space<hbm>> -> memref<1x32xf32, #tpu.memory_space<hbm>>
      %dma_wait3A_109 = tpu.memref_squeeze %dma_wait3A_108 : memref<1x32xf32, #tpu.memory_space<hbm>> -> memref<32xf32, #tpu.memory_space<hbm>>
      tpu.wait_dma2 semaphore(%run_scoped3A : memref<!tpu.dma_semaphore, #tpu.memory_space<semaphore_mem>>) src(%arg12 : memref<32xf32, #tpu.memory_space<vmem>>) dst(%dma_wait3A_109 : memref<32xf32, #tpu.memory_space<hbm>>)
      tpu.yield
    }) : () -> ()
    return
  }
}

module attributes {stable_mosaic.version = 14 : i64} {
  func.func @_rare_body(%arg0: i32, %arg1: i32, %arg2: memref<512x128xf32, #tpu.memory_space<vmem>>, %arg3: memref<512x128xf32, #tpu.memory_space<vmem>>, %arg4: memref<512x128xi32, #tpu.memory_space<vmem>>, %arg5: memref<1xf32, #tpu.memory_space<smem>>, %arg6: memref<8xi32, #tpu.memory_space<smem>>, %arg7: memref<4xf32, #tpu.memory_space<smem>>) attributes {dimension_semantics = [#tpu.dimension_semantics<arbitrary>, #tpu.dimension_semantics<arbitrary>], iteration_bounds = array<i64: 34, 16>, scalar_prefetch = 0 : i64, scratch_operands = 2 : i64, tpu.core_type = #tpu.core_type<tc>, window_params = [{transform_indices = @transform_0, window_bounds = array<i64: 512, 128>}, {transform_indices = @transform_1, window_bounds = array<i64: 512, 128>}, {transform_indices = @transform_2, window_bounds = array<i64: 512, 128>}, {transform_indices = @transform_3, window_bounds = array<i64: 1>}]} {
    %get3A = arith.constant 0 : index
    %get3A_0 = arith.constant 0 : index
    %get3A_1 = vector.load %arg4[%get3A, %get3A_0] : memref<512x128xi32, #tpu.memory_space<vmem>>, vector<512x128xi32>
    %eq3A = arith.constant 0 : i32
    %eq3A_2 = vector.broadcast %eq3A : i32 to vector<512x128xi32>
    %eq3A_3 = arith.cmpi eq, %get3A_1, %eq3A_2 : vector<512x128xi32>
    %eq3A_4 = arith.constant 0 : i32
    %eq3A_5 = arith.cmpi eq, %arg0, %eq3A_4 : i32
    %eq3A_6 = arith.constant 0 : i32
    %eq3A_7 = arith.cmpi eq, %arg1, %eq3A_6 : i32
    %and3A = arith.andi %eq3A_5, %eq3A_7 : i1
    %convert_element_type3A = arith.extui %and3A : i1 to i32
    %cond3A = arith.constant 0 : i32
    %cond3A_8 = arith.cmpi ne, %convert_element_type3A, %cond3A : i32
    scf.if %cond3A_8 {
      %swap3A = arith.constant 0 : i32
      %swap3A_44 = arith.constant 0 : index
      %swap3A_45 = memref.load %arg6[%swap3A_44] : memref<8xi32, #tpu.memory_space<smem>>
      memref.store %swap3A, %arg6[%swap3A_44] : memref<8xi32, #tpu.memory_space<smem>>
    } else {
    }
    %eq3A_9 = arith.constant 0 : i32
    %eq3A_10 = arith.cmpi eq, %arg0, %eq3A_9 : i32
    %convert_element_type3A_11 = arith.extui %eq3A_10 : i1 to i32
    %cond3A_12 = arith.constant 0 : i32
    %cond3A_13 = arith.cmpi ne, %convert_element_type3A_11, %cond3A_12 : i32
    scf.if %cond3A_13 {
      %get3A_44 = arith.constant 0 : index
      %get3A_45 = memref.load %arg6[%get3A_44] : memref<8xi32, #tpu.memory_space<smem>>
      %ne3A = arith.constant 0 : i32
      %ne3A_46 = vector.broadcast %ne3A : i32 to vector<512x128xi32>
      %ne3A_47 = arith.cmpi ne, %get3A_1, %ne3A_46 : vector<512x128xi32>
      %convert_element_type3A_48 = arith.extui %ne3A_47 : vector<512x128xi1> to vector<512x128xi32>
      %reduce_sum3A = vector.shape_cast %convert_element_type3A_48 : vector<512x128xi32> to vector<1x512x128xi32>
      %reduce_sum3A_49 = arith.constant dense<0> : vector<1xi32>
      %reduce_sum3A_50 = vector.multi_reduction <add>, %reduce_sum3A, %reduce_sum3A_49 [1, 2] : vector<1x512x128xi32> to vector<1xi32>
      %reduce_sum3A_51 = vector.shape_cast %reduce_sum3A_50 : vector<1xi32> to vector<1x1x1xi32>
      %reduce_sum3A_52 = vector.extract %reduce_sum3A_51[0, 0, 0] : i32 from vector<1x1x1xi32>
      %add3A = arith.addi %get3A_45, %reduce_sum3A_52 : i32
      %swap3A = arith.constant 0 : index
      %swap3A_53 = memref.load %arg6[%swap3A] : memref<8xi32, #tpu.memory_space<smem>>
      memref.store %add3A, %arg6[%swap3A] : memref<8xi32, #tpu.memory_space<smem>>
    } else {
    }
    %ge3A = arith.constant 1 : i32
    %ge3A_14 = arith.cmpi sge, %arg0, %ge3A : i32
    %le3A = arith.constant 33 : i32
    %le3A_15 = arith.cmpi sle, %arg0, %le3A : i32
    %and3A_16 = arith.andi %ge3A_14, %le3A_15 : i1
    %eq3A_17 = arith.constant 0 : i32
    %eq3A_18 = arith.cmpi eq, %arg1, %eq3A_17 : i32
    %and3A_19 = arith.andi %and3A_16, %eq3A_18 : i1
    %convert_element_type3A_20 = arith.extui %and3A_19 : i1 to i32
    %cond3A_21 = arith.constant 0 : i32
    %cond3A_22 = arith.cmpi ne, %convert_element_type3A_20, %cond3A_21 : i32
    scf.if %cond3A_22 {
      %get3A_44 = arith.constant 0 : index
      %get3A_45 = memref.load %arg6[%get3A_44] : memref<8xi32, #tpu.memory_space<smem>>
      %mul3A = arith.constant 3 : i32
      %mul3A_46 = arith.muli %get3A_45, %mul3A : i32
      %eq3A_47 = arith.constant 1 : i32
      %eq3A_48 = arith.cmpi eq, %arg0, %eq3A_47 : i32
      %convert_element_type3A_49 = arith.extui %eq3A_48 : i1 to i32
      %cond3A_50 = arith.constant 0 : i32
      %cond3A_51 = arith.cmpi ne, %convert_element_type3A_49, %cond3A_50 : i32
      scf.if %cond3A_51 {
        %swap3A_59 = arith.constant 0 : i32
        %swap3A_60 = arith.constant 2 : index
        %swap3A_61 = memref.load %arg6[%swap3A_60] : memref<8xi32, #tpu.memory_space<smem>>
        memref.store %swap3A_59, %arg6[%swap3A_60] : memref<8xi32, #tpu.memory_space<smem>>
      } else {
      }
      %ge3A_52 = arith.constant 2 : i32
      %ge3A_53 = arith.cmpi sge, %arg0, %ge3A_52 : i32
      %convert_element_type3A_54 = arith.extui %ge3A_53 : i1 to i32
      %cond3A_55 = arith.constant 0 : i32
      %cond3A_56 = arith.cmpi ne, %convert_element_type3A_54, %cond3A_55 : i32
      scf.if %cond3A_56 {
        %sub3A = arith.constant 33 : i32
        %sub3A_59 = arith.subi %sub3A, %arg0 : i32
        %shift_left3A = arith.constant 1 : i32
        %shift_left3A_60 = arith.shli %shift_left3A, %sub3A_59 : i32
        %get3A_61 = arith.constant 1 : index
        %get3A_62 = memref.load %arg6[%get3A_61] : memref<8xi32, #tpu.memory_space<smem>>
        %ge3A_63 = arith.cmpi sge, %get3A_62, %mul3A_46 : i32
        %get3A_64 = arith.constant 2 : index
        %get3A_65 = memref.load %arg6[%get3A_64] : memref<8xi32, #tpu.memory_space<smem>>
        %or3A = arith.ori %get3A_65, %shift_left3A_60 : i32
        %get3A_66 = arith.constant 2 : index
        %get3A_67 = memref.load %arg6[%get3A_66] : memref<8xi32, #tpu.memory_space<smem>>
        %select_n3A = arith.select %ge3A_63, %or3A, %get3A_67 : i32
        %swap3A_68 = arith.constant 2 : index
        %swap3A_69 = memref.load %arg6[%swap3A_68] : memref<8xi32, #tpu.memory_space<smem>>
        memref.store %select_n3A, %arg6[%swap3A_68] : memref<8xi32, #tpu.memory_space<smem>>
      } else {
      }
      %swap3A = arith.constant 0 : i32
      %swap3A_57 = arith.constant 1 : index
      %swap3A_58 = memref.load %arg6[%swap3A_57] : memref<8xi32, #tpu.memory_space<smem>>
      memref.store %swap3A, %arg6[%swap3A_57] : memref<8xi32, #tpu.memory_space<smem>>
    } else {
    }
    %ge3A_23 = arith.constant 1 : i32
    %ge3A_24 = arith.cmpi sge, %arg0, %ge3A_23 : i32
    %le3A_25 = arith.constant 32 : i32
    %le3A_26 = arith.cmpi sle, %arg0, %le3A_25 : i32
    %and3A_27 = arith.andi %ge3A_24, %le3A_26 : i1
    %convert_element_type3A_28 = arith.extui %and3A_27 : i1 to i32
    %cond3A_29 = arith.constant 0 : i32
    %cond3A_30 = arith.cmpi ne, %convert_element_type3A_28, %cond3A_29 : i32
    scf.if %cond3A_30 {
      %sub3A = arith.constant 32 : i32
      %sub3A_44 = arith.subi %sub3A, %arg0 : i32
      %shift_left3A = arith.constant 1 : i32
      %shift_left3A_45 = arith.shli %shift_left3A, %sub3A_44 : i32
      %get3A_46 = arith.constant 2 : index
      %get3A_47 = memref.load %arg6[%get3A_46] : memref<8xi32, #tpu.memory_space<smem>>
      %or3A = arith.ori %get3A_47, %shift_left3A_45 : i32
      %xor3A = arith.constant -2147483648 : i32
      %xor3A_48 = arith.xori %or3A, %xor3A : i32
      %get3A_49 = arith.constant 0 : index
      %get3A_50 = arith.constant 0 : index
      %get3A_51 = vector.load %arg3[%get3A_49, %get3A_50] : memref<512x128xf32, #tpu.memory_space<vmem>>, vector<512x128xf32>
      %bitcast_convert_type3A = tpu.bitcast %get3A_51 : vector<512x128xf32> -> vector<512x128xi32>
      %ge3A_52 = arith.constant 0 : i32
      %ge3A_53 = vector.broadcast %ge3A_52 : i32 to vector<512x128xi32>
      %ge3A_54 = arith.cmpi sge, %bitcast_convert_type3A, %ge3A_53 : vector<512x128xi32>
      %xor3A_55 = arith.constant 2147483647 : i32
      %xor3A_56 = vector.broadcast %xor3A_55 : i32 to vector<512x128xi32>
      %xor3A_57 = arith.xori %bitcast_convert_type3A, %xor3A_56 : vector<512x128xi32>
      %select_n3A = arith.select %ge3A_54, %bitcast_convert_type3A, %xor3A_57 : vector<512x128xi1>, vector<512x128xi32>
      %get3A_58 = arith.constant 1 : index
      %get3A_59 = memref.load %arg6[%get3A_58] : memref<8xi32, #tpu.memory_space<smem>>
      %ge3A_60 = vector.broadcast %xor3A_48 : i32 to vector<512x128xi32>
      %ge3A_61 = arith.cmpi sge, %select_n3A, %ge3A_60 : vector<512x128xi32>
      %and3A_62 = arith.andi %eq3A_3, %ge3A_61 : vector<512x128xi1>
      %convert_element_type3A_63 = arith.extui %and3A_62 : vector<512x128xi1> to vector<512x128xi32>
      %reduce_sum3A = vector.shape_cast %convert_element_type3A_63 : vector<512x128xi32> to vector<1x512x128xi32>
      %reduce_sum3A_64 = arith.constant dense<0> : vector<1xi32>
      %reduce_sum3A_65 = vector.multi_reduction <add>, %reduce_sum3A, %reduce_sum3A_64 [1, 2] : vector<1x512x128xi32> to vector<1xi32>
      %reduce_sum3A_66 = vector.shape_cast %reduce_sum3A_65 : vector<1xi32> to vector<1x1x1xi32>
      %reduce_sum3A_67 = vector.extract %reduce_sum3A_66[0, 0, 0] : i32 from vector<1x1x1xi32>
      %add3A = arith.addi %get3A_59, %reduce_sum3A_67 : i32
      %swap3A = arith.constant 1 : index
      %swap3A_68 = memref.load %arg6[%swap3A] : memref<8xi32, #tpu.memory_space<smem>>
      memref.store %add3A, %arg6[%swap3A] : memref<8xi32, #tpu.memory_space<smem>>
    } else {
    }
    %eq3A_31 = arith.constant 33 : i32
    %eq3A_32 = arith.cmpi eq, %arg0, %eq3A_31 : i32
    %eq3A_33 = arith.constant 0 : i32
    %eq3A_34 = arith.cmpi eq, %arg1, %eq3A_33 : i32
    %and3A_35 = arith.andi %eq3A_32, %eq3A_34 : i1
    %convert_element_type3A_36 = arith.extui %and3A_35 : i1 to i32
    %cond3A_37 = arith.constant 0 : i32
    %cond3A_38 = arith.cmpi ne, %convert_element_type3A_36, %cond3A_37 : i32
    scf.if %cond3A_38 {
      %get3A_44 = arith.constant 0 : index
      %get3A_45 = memref.load %arg6[%get3A_44] : memref<8xi32, #tpu.memory_space<smem>>
      %mul3A = arith.constant 3 : i32
      %mul3A_46 = arith.muli %get3A_45, %mul3A : i32
      %get3A_47 = arith.constant 2 : index
      %get3A_48 = memref.load %arg6[%get3A_47] : memref<8xi32, #tpu.memory_space<smem>>
      %xor3A = arith.constant -2147483648 : i32
      %xor3A_49 = arith.xori %get3A_48, %xor3A : i32
      %eq3A_50 = arith.constant 0 : i32
      %eq3A_51 = arith.cmpi eq, %mul3A_46, %eq3A_50 : i32
      %jit3A = arith.constant -2147483648 : i32
      %select_n3A = arith.select %eq3A_51, %jit3A, %xor3A_49 : i32
      %swap3A = arith.constant 4 : index
      %swap3A_52 = memref.load %arg6[%swap3A] : memref<8xi32, #tpu.memory_space<smem>>
      memref.store %select_n3A, %arg6[%swap3A] : memref<8xi32, #tpu.memory_space<smem>>
      %swap3A_53 = arith.constant 0 : i32
      %swap3A_54 = arith.constant 3 : index
      %swap3A_55 = memref.load %arg6[%swap3A_54] : memref<8xi32, #tpu.memory_space<smem>>
      memref.store %swap3A_53, %arg6[%swap3A_54] : memref<8xi32, #tpu.memory_space<smem>>
      %swap3A_56 = arith.constant 0.000000e+00 : f32
      %swap3A_57 = arith.constant 0 : index
      %swap3A_58 = memref.load %arg7[%swap3A_57] : memref<4xf32, #tpu.memory_space<smem>>
      memref.store %swap3A_56, %arg7[%swap3A_57] : memref<4xf32, #tpu.memory_space<smem>>
    } else {
    }
    %eq3A_39 = arith.constant 33 : i32
    %eq3A_40 = arith.cmpi eq, %arg0, %eq3A_39 : i32
    %convert_element_type3A_41 = arith.extui %eq3A_40 : i1 to i32
    %cond3A_42 = arith.constant 0 : i32
    %cond3A_43 = arith.cmpi ne, %convert_element_type3A_41, %cond3A_42 : i32
    scf.if %cond3A_43 {
      %get3A_44 = arith.constant 0 : index
      %get3A_45 = arith.constant 0 : index
      %get3A_46 = vector.load %arg2[%get3A_44, %get3A_45] : memref<512x128xf32, #tpu.memory_space<vmem>>, vector<512x128xf32>
      %get3A_47 = arith.constant 0 : index
      %get3A_48 = arith.constant 0 : index
      %get3A_49 = vector.load %arg3[%get3A_47, %get3A_48] : memref<512x128xf32, #tpu.memory_space<vmem>>, vector<512x128xf32>
      %bitcast_convert_type3A = tpu.bitcast %get3A_49 : vector<512x128xf32> -> vector<512x128xi32>
      %ge3A_50 = arith.constant 0 : i32
      %ge3A_51 = vector.broadcast %ge3A_50 : i32 to vector<512x128xi32>
      %ge3A_52 = arith.cmpi sge, %bitcast_convert_type3A, %ge3A_51 : vector<512x128xi32>
      %xor3A = arith.constant 2147483647 : i32
      %xor3A_53 = vector.broadcast %xor3A : i32 to vector<512x128xi32>
      %xor3A_54 = arith.xori %bitcast_convert_type3A, %xor3A_53 : vector<512x128xi32>
      %select_n3A = arith.select %ge3A_52, %bitcast_convert_type3A, %xor3A_54 : vector<512x128xi1>, vector<512x128xi32>
      %get3A_55 = arith.constant 4 : index
      %get3A_56 = memref.load %arg6[%get3A_55] : memref<8xi32, #tpu.memory_space<smem>>
      %ge3A_57 = vector.broadcast %get3A_56 : i32 to vector<512x128xi32>
      %ge3A_58 = arith.cmpi sge, %select_n3A, %ge3A_57 : vector<512x128xi32>
      %ne3A = arith.constant 0 : i32
      %ne3A_59 = vector.broadcast %ne3A : i32 to vector<512x128xi32>
      %ne3A_60 = arith.cmpi ne, %get3A_1, %ne3A_59 : vector<512x128xi32>
      %or3A = arith.ori %ge3A_58, %ne3A_60 : vector<512x128xi1>
      %max3A = arith.maximumf %get3A_46, %get3A_49 : vector<512x128xf32>
      %sub3A = arith.subf %get3A_46, %max3A : vector<512x128xf32>
      %exp3A = math.exp %sub3A : vector<512x128xf32>
      %sub3A_61 = arith.subf %get3A_49, %max3A : vector<512x128xf32>
      %exp3A_62 = math.exp %sub3A_61 : vector<512x128xf32>
      %add3A = arith.addf %exp3A, %exp3A_62 : vector<512x128xf32>
      %log3A = math.log %add3A : vector<512x128xf32>
      %add3A_63 = arith.addf %max3A, %log3A : vector<512x128xf32>
      %eq3A_64 = arith.constant 0 : i32
      %eq3A_65 = vector.broadcast %eq3A_64 : i32 to vector<512x128xi32>
      %eq3A_66 = arith.cmpi eq, %get3A_1, %eq3A_65 : vector<512x128xi32>
      %select_n3A_67 = arith.select %eq3A_66, %get3A_46, %get3A_49 : vector<512x128xi1>, vector<512x128xf32>
      %sub3A_68 = arith.subf %add3A_63, %select_n3A_67 : vector<512x128xf32>
      %get3A_69 = arith.constant 0 : index
      %get3A_70 = memref.load %arg7[%get3A_69] : memref<4xf32, #tpu.memory_space<smem>>
      %jit3A = arith.constant 0.000000e+00 : f32
      %broadcast_in_dim3A = vector.broadcast %jit3A : f32 to vector<512x128xf32>
      %select_n3A_71 = arith.select %or3A, %sub3A_68, %broadcast_in_dim3A : vector<512x128xi1>, vector<512x128xf32>
      %reduce_sum3A = vector.shape_cast %select_n3A_71 : vector<512x128xf32> to vector<1x512x128xf32>
      %reduce_sum3A_72 = arith.constant dense<0.000000e+00> : vector<1xf32>
      %reduce_sum3A_73 = vector.multi_reduction <add>, %reduce_sum3A, %reduce_sum3A_72 [1, 2] : vector<1x512x128xf32> to vector<1xf32>
      %reduce_sum3A_74 = vector.shape_cast %reduce_sum3A_73 : vector<1xf32> to vector<1x1x1xf32>
      %reduce_sum3A_75 = vector.extract %reduce_sum3A_74[0, 0, 0] : f32 from vector<1x1x1xf32>
      %add3A_76 = arith.addf %get3A_70, %reduce_sum3A_75 : f32
      %swap3A = arith.constant 0 : index
      %swap3A_77 = memref.load %arg7[%swap3A] : memref<4xf32, #tpu.memory_space<smem>>
      memref.store %add3A_76, %arg7[%swap3A] : memref<4xf32, #tpu.memory_space<smem>>
      %get3A_78 = arith.constant 3 : index
      %get3A_79 = memref.load %arg6[%get3A_78] : memref<8xi32, #tpu.memory_space<smem>>
      %convert_element_type3A_80 = arith.extui %or3A : vector<512x128xi1> to vector<512x128xi32>
      %reduce_sum3A_81 = vector.shape_cast %convert_element_type3A_80 : vector<512x128xi32> to vector<1x512x128xi32>
      %reduce_sum3A_82 = arith.constant dense<0> : vector<1xi32>
      %reduce_sum3A_83 = vector.multi_reduction <add>, %reduce_sum3A_81, %reduce_sum3A_82 [1, 2] : vector<1x512x128xi32> to vector<1xi32>
      %reduce_sum3A_84 = vector.shape_cast %reduce_sum3A_83 : vector<1xi32> to vector<1x1x1xi32>
      %reduce_sum3A_85 = vector.extract %reduce_sum3A_84[0, 0, 0] : i32 from vector<1x1x1xi32>
      %add3A_86 = arith.addi %get3A_79, %reduce_sum3A_85 : i32
      %swap3A_87 = arith.constant 3 : index
      %swap3A_88 = memref.load %arg6[%swap3A_87] : memref<8xi32, #tpu.memory_space<smem>>
      memref.store %add3A_86, %arg6[%swap3A_87] : memref<8xi32, #tpu.memory_space<smem>>
      %eq3A_89 = arith.constant 15 : i32
      %eq3A_90 = arith.cmpi eq, %arg1, %eq3A_89 : i32
      %convert_element_type3A_91 = arith.extui %eq3A_90 : i1 to i32
      %cond3A_92 = arith.constant 0 : i32
      %cond3A_93 = arith.cmpi ne, %convert_element_type3A_91, %cond3A_92 : i32
      scf.if %cond3A_93 {
        %get3A_94 = arith.constant 0 : index
        %get3A_95 = memref.load %arg7[%get3A_94] : memref<4xf32, #tpu.memory_space<smem>>
        %get3A_96 = arith.constant 3 : index
        %get3A_97 = memref.load %arg6[%get3A_96] : memref<8xi32, #tpu.memory_space<smem>>
        %max3A_98 = arith.constant 1 : i32
        %max3A_99 = arith.maxsi %get3A_97, %max3A_98 : i32
        %convert_element_type3A_100 = arith.sitofp %max3A_99 : i32 to f32
        %div3A = arith.divf %get3A_95, %convert_element_type3A_100 : f32
        %swap3A_101 = arith.constant 0 : index
        %swap3A_102 = memref.load %arg5[%swap3A_101] : memref<1xf32, #tpu.memory_space<smem>>
        memref.store %div3A, %arg5[%swap3A_101] : memref<1xf32, #tpu.memory_space<smem>>
      } else {
      }
    } else {
    }
    return
  }
  func.func @transform_0(%arg0: i32, %arg1: i32) -> (i32, i32) {
    %c0_i32 = arith.constant 0 : i32
    %c0_i32_0 = arith.constant 0 : i32
    return %arg1, %c0_i32 : i32, i32
  }
  func.func @transform_1(%arg0: i32, %arg1: i32) -> (i32, i32) {
    %c0_i32 = arith.constant 0 : i32
    %c0_i32_0 = arith.constant 0 : i32
    return %arg1, %c0_i32 : i32, i32
  }
  func.func @transform_2(%arg0: i32, %arg1: i32) -> (i32, i32) {
    %c0_i32 = arith.constant 0 : i32
    %c0_i32_0 = arith.constant 0 : i32
    return %arg1, %c0_i32 : i32, i32
  }
  func.func @transform_3(%arg0: i32, %arg1: i32) -> i32 {
    %c0_i32 = arith.constant 0 : i32
    %c0_i32_0 = arith.constant 0 : i32
    return %c0_i32 : i32
  }
}

</mosaic_0001>

<sc_bundles>
// kernel: kernel.3.cloned.1.call-start
scs
__scs_entry_jumppad:
0x0: {  	(pc) =	sbr.rel $0x88, $3  }
0x1: {  	(tag) =	ssettag $0x0;
	lr =	simm.s32 $0x1  }
0x2: {  	[smem:$0x3F9F] =	sst lr;
	_ =	strace $0xD0000000  }
0x3: {  	_ = 	snop  }
0x4: {  	_ = 	snop  }
0x5: {  	_ = 	snop  }
0x6: {  	_ = 	snop  }
0x7: {  	_ = 	snop  }
__scs_overlays_trampoline_lowered:
0x8: {  	[smem:$0x3FAE] =	sst s0  }
0x9: {  	[smem:$0x3FAF] =	sst s1  }
0xa: {  	[smem:$0x3FB0] =	sst s2  }
0xb: {  	[smem:$0x3FB1] =	sst s3  }
0xc: {  	[smem:$0x3FB2] =	sst s4  }
0xd: {  	[smem:$0x3FB3] =	sst s5  }
0xe: {  	[smem:$0x3FB4] =	sst s6  }
0xf: {  	[smem:$0x3FB5] =	sst s7  }
0x10: {  	[smem:$0x3FB6] =	sst s8  }
0x11: {  	[smem:$0x3FB7] =	sst s9;
	s0 =	simm.s32 @!p0 $0x0  }
0x12: {  	s1 =	sld [smem:$0x3F9D];
	s0 =	simm.s32 @p0 $0x1  }
0x13: {  	[smem:$0x3FB8] =	sst s0;
	s0 =	simm.s32 @!p1 $0x0  }
0x14: {  	s2 =	sld [smem:$0x3F9C];
	s0 =	simm.s32 @p1 $0x1  }
0x15: {  	[smem:$0x3FB9] =	sst s0;
	s0 =	simm.s32 @!p2 $0x0  }
0x16: {  	s3 =	sld [smem:$0x3FDB];
	s0 =	simm.s32 @p2 $0x1  }
0x17: {  	s4 =	simm.s32 $0x1BF5;
	[smem:$0x3FBB] =	sst s0  }
0x18: {  	s0 =	sld [smem:$0x3F9E];
	_ =	swait.ge [sflag:s4], $0x0  }
0x19: {  	s7 =	sld [smem:$0x3F9F]  }
0x1a: {  	s8 =	sadd.s32 $0xFFFFE003, lr  }
0x1b: {  	s9 =	sadd.s32 $0xFFFFFEF7, lr;
	s5 =	simm.s32 $0xFFFFFFFF;
	p2 =	slt.u32 s8, $0xFFFFF086  }
0x1c: {  	p1 =	slt.u32 s9, $0xF7A;
	s5 =	simm.s32 @!p2 $0x0  }
0x1d: {  	s5 =	simm.s32 @p1 $0x1;
	p0 =	seq.s32 s7, s2  }
0x1e: {  	s7 =	smul.u32 @!p0 $0xF7A, s2;
	p2 =	seq.s32 @!p0 s5, $0x0  }
0x1f: {  	s9 =	smul.u32 $0xF7A, s1;
	s8 =	simm.s32 @!p0 $0x1BF5;
	p2 =	por !p2, p0  }
0x20: {  	[sflag:s8] =	ssyncset.s32 @!p0 $0xFFFFF086;
	s6 =	sadd.s32 @!p0 s3, s7;
	s7 =	simm.s32 @!p0 $0x108  }
0x21: {  	s3 =	sadd.s32 s3, s9;
	s6 =	sadd.s32 @!p0 $0x88, s6;
	s7 =	simm.s32 @p2 $0x1082  }
0x22: {  	[simem:s7], [sflag:s8] =	dma.local @!p0 [hbm:s6], $0xF7A  }
0x23: {  	s9 =	sor.u32 $0xD0000000, s2;
	s6 =	simm.s32 $0x108;
	_ =	swait.ge @!p0 [sflag:s8], $0x0  }
0x24: {  	s3 =	sadd.s32 $0x88, s3;
	s6 =	simm.s32 @!p1 $0x1082;
	[sflag:s4] =	ssyncset.s32 $0xFFFFF086  }
0x25: {  	[simem:s6], [sflag:s4] =	dma.local [hbm:s3], $0xF7A  }
0x26: {  	[smem:$0x3F9F] =	sst s1;
	(tag) =	ssettag s2;
	_ =	strace s9  }
0x27: {  	s1 =	sld [smem:$0x3FAF]  }
0x28: {  	s2 =	sld [smem:$0x3FB0]  }
0x29: {  	s4 =	sld [smem:$0x3FB2]  }
0x2a: {  	p0 =	seq.s32 s5, $0x0;
	s5 =	sld [smem:$0x3FB3]  }
0x2b: {  	s6 =	sld [smem:$0x3FB4]  }
0x2c: {  	s7 =	sld [smem:$0x3FB5]  }
0x2d: {  	s3 =	simm.s32 $0x108;
	s8 =	sld [smem:$0x3FB6]  }
0x2e: {  	s3 =	simm.s32 @!p0 $0x1082;
	s9 =	sld [smem:$0x3FB7]  }
0x2f: {  	lr =	sadd.s32 s0, s3;
	s0 =	sld [smem:$0x3FAE]  }
0x30: {  	s3 =	sld [smem:$0x3FB1]  }
0x31: {  	[smem:$0x3FBA] =	sst s10  }
0x32: {  	s10 =	sld [smem:$0x3FB8];
	_ =	sdelay $0x3  }
0x33: {  	p0 =	seq.s32 s10, $0x1;
	s10 =	sld [smem:$0x3FBA];
	_ =	sdelay $0x3  }
0x34: {  	[smem:$0x3FBA] =	sst s10  }
0x35: {  	s10 =	sld [smem:$0x3FB9];
	_ =	sdelay $0x3  }
0x36: {  	p1 =	seq.s32 s10, $0x1;
	s10 =	sld [smem:$0x3FBA];
	_ =	sdelay $0x3  }
0x37: {  	[smem:$0x3FBA] =	sst s10  }
0x38: {  	s10 =	sld [smem:$0x3FBB]  }
0x39: {  	_ = 	snop;
	(pc) =	sbr.ind lr, $3  }
0x3a: {  	_ = 	snop  }
0x3b: {  	_ = 	snop  }
0x3c: {  	p2 =	seq.s32 s10, $0x1;
	s10 =	sld [smem:$0x3FBA]  }
0x3d: {  	_ =	shalt  }
0x3e: {  	_ =	shalt  }
0x3f: {  	_ =	shalt  }
0x40: {  	_ =	shalt  }
0x41: {  	_ =	shalt  }
0x42: {  	_ =	shalt  }
0x43: {  	_ =	shalt  }
0x44: {  	_ =	shalt  }
0x45: {  	_ =	shalt  }
0x46: {  	_ =	shalt  }
0x47: {  	_ =	shalt  }
0x48: {  	_ =	shalt  }
0x49: {  	_ =	shalt  }
0x4a: {  	_ =	shalt  }
0x4b: {  	_ =	shalt  }
0x4c: {  	_ =	shalt  }
0x4d: {  	_ =	shalt  }
0x4e: {  	_ =	shalt  }
0x4f: {  	_ =	shalt  }
0x50: {  	_ =	shalt  }
0x51: {  	_ =	shalt  }
0x52: {  	_ =	shalt  }
0x53: {  	_ =	shalt  }
0x54: {  	_ =	shalt  }
0x55: {  	_ =	shalt  }
0x56: {  	_ =	shalt  }
0x57: {  	_ =	shalt  }
0x58: {  	_ =	shalt  }
0x59: {  	_ =	shalt  }
0x5a: {  	_ =	shalt  }
0x5b: {  	_ =	shalt  }
0x5c: {  	_ =	shalt  }
0x5d: {  	_ =	shalt  }
0x5e: {  	_ =	shalt  }
0x5f: {  	_ =	shalt  }
0x60: {  	_ =	shalt  }
0x61: {  	_ =	shalt  }
0x62: {  	_ =	shalt  }
0x63: {  	_ =	shalt  }
0x64: {  	_ =	shalt  }
0x65: {  	_ =	shalt  }
0x66: {  	_ =	shalt  }
0x67: {  	_ =	shalt  }
0x68: {  	_ =	shalt  }
0x69: {  	_ =	shalt  }
0x6a: {  	_ =	shalt  }
0x6b: {  	_ =	shalt  }
0x6c: {  	_ =	shalt  }
0x6d: {  	_ =	shalt  }
0x6e: {  	_ =	shalt  }
0x6f: {  	_ =	shalt  }
0x70: {  	_ =	shalt  }
0x71: {  	_ =	shalt  }
0x72: {  	_ =	shalt  }
0x73: {  	_ =	shalt  }
0x74: {  	_ =	shalt  }
0x75: {  	_ =	shalt  }
0x76: {  	_ =	shalt  }
0x77: {  	_ =	shalt  }
0x78: {  	_ =	shalt  }
0x79: {  	_ =	shalt  }
0x7a: {  	_ =	shalt  }
0x7b: {  	_ =	shalt  }
0x7c: {  	_ =	shalt  }
0x7d: {  	_ =	shalt  }
0x7e: {  	_ =	shalt  }
0x7f: {  	_ =	shalt  }
0x80: {  	_ =	shalt  }
0x81: {  	_ =	shalt  }
0x82: {  	_ =	shalt  }
0x83: {  	_ =	shalt  }
0x84: {  	_ =	shalt  }
0x85: {  	_ =	shalt  }
0x86: {  	_ =	shalt  }
0x87: {  	_ =	shalt  }
.Lfunc_end0:
.L_simem_size_0:
called_computation_lowered:
.L_overlay_start_0:
0x88: {  	s2 =	sld [smem:$0x3FD9]  }
0x89: {  	s3 =	sld [smem:$0x3FFE];
	_ =	sdelay $0x1  }
0x8a: {  	s1 =	srdreg.scid  }
0x8b: {  	s0 =	sand.u32 $0x1, s1  }
0x8c: {  	s17 =	sshll.u32 s0, $0xA;
	s2 =	sadd.s32 s3, s2  }
0x8d: {  	s2 =	sadd.s32 s2, s17  }
0x8e: {  	[smem:$0x3FC6] =	sst s2  }
0x8f: {  	_ = 	snop  }
0x90: {  	s2 =	sld [smem:$0x3FC8];
	(tm) =	ssettm $0x1  }
0x91: {  	s18 =	sld [smem:$0x3FFB];
	_ =	sdelay $0x3  }
0x92: {  	_ =	strace s18  }
0x93: {  	s3 =	sld [smem:$0x3FFC];
	_ =	sdelay $0x3  }
0x94: {  	_ =	strace s3  }
0x95: {  	s3 =	sld [smem:$0x3FFD];
	_ =	sdelay $0x3  }
0x96: {  	_ =	strace s3  }
0x97: {  	_ =	strace $0x8FFFFFFF  }
0x98: {  	s19 =	sld [smem:$0x3FDB];
	_ =	sdelay $0x1  }
0x99: {  	s4 =	simm.s32 $_scs_section_size  }
0x9a: {  	s5 =	simm.s32 $_size__tile_overlayer_lowered;
	s6 =	simm.s32 $_tile_overlayer_lowered  }
0x9b: {  	s22 =	simm.s32 $0x1BFF;
	s21 =	sshll.u32 s6, $0x1;
	s3 =	sadd.s32 s4, s19  }
0x9c: {  	s7 =	simm.s32 $0x0;
	s20 =	sshll.u32 s5, $0x1;
	s5 =	sadd.s32 s21, s3  }
0x9d: {  	[timem:s7], [sflag:s22] =	dma.local [hbm:s5], s20  }
0x9e: {  	_ =	swait.ge [sflag:s22], s20  }
0x9f: {  	s4 =	ssub.s32 $0x0, s20;
	[sflag:s22] =	ssyncset.done $0x0  }
0xa0: {  	[sflag:s22] =	ssyncadd.s32 s4;
	_ =	sdelay $0x1  }
0xa1: {  	s23 =	simm.s32 $0x1B8B  }
0xa2: {  	_ =	swait.ge [sflag:s23], $0x1  }
0xa3: {  	[sflag:s23] =	ssyncset.done $0x0  }
0xa4: {  	s25 =	simm.s32 $0x1B8E;
	s24 =	sld [smem:$0x3FFE];
	[sflag:s23] =	ssyncadd.s32 $0xFFFFFFFF  }
0xa5: {  	s26 =	simm.s32 $execute0_lowered;
	[smem:$0x3FD2] =	sst s25  }
0xa6: {  	s5 =	sshll.u32 s26, $0x1;
	_ =	strace $0x80000046;
	[dreg:$0x1] =	wrdreg $0xFFFFFFFF  }
0xa7: {  	s28 =	simm.s32 $_size_execute0_lowered;
	s3 =	sadd.s32 s3, s5;
	[dreg:$0x0] =	wrdreg $0x0  }
0xa8: {  	s5 =	sshll.u32 s28, $0x1;
	[dreg:$0x2] =	wrdreg s3  }
0xa9: {  	[dreg:$0x3] =	wrdreg s5  }
0xaa: {  	[dreg:$0x4] =	wrdreg $0xC0  }
0xab: {  	_ =	task [dreg:s7], $0x5FFFF  }
0xac: {  	[dreg:$0x1] =	wrdreg $0xFFFFFFFF  }
0xad: {  	[dreg:$0x0] =	wrdreg $0x60  }
0xae: {  	[dreg:$0x2] =	wrdreg s24  }
0xaf: {  	[dreg:$0x3] =	wrdreg s2  }
0xb0: {  	[dreg:$0x4] =	wrdreg $0x9  }
0xb1: {  	_ =	task.clear_ibuf [dreg:s7], $0x5FFFF;
	_ =	strace $0x90000046  }
0xb2: {  	s29 =	simm.s32 $0x9;
	_ =	strace $0x80000048  }
0xb3: {  	_ =	swait.ge [sflag:s29], $0x1  }
0xb4: {  	[sflag:s29] =	ssyncadd.s32 $0xFFFFFFFF  }
0xb5: {  	_ =	strace $0x90000048  }
0xb6: {  	_ =	sfence  }
0xb7: {  	s30 =	sld [smem:$0x0];
	_ =	sdelay $0x2  }
0xb8: {  	s31 =	sshll.u32 s1, $0xD;
	s1 =	sshrl.u32 s1, $0x2  }
0xb9: {  	s3 =	sand.u32 $0x4000, s31;
	s1 =	sadd.s32 s1, s30  }
0xba: {  	s0 =	sor.u32 s3, s0;
	s1 =	sshll.u32 s1, $0x11  }
0xbb: {  	s0 =	sor.u32 s1, s0  }
0xbc: {  	s0 =	sadd.s32 $0x8F2B, s0  }
0xbd: {  	[sflag:s0] =	ssyncadd.remote.s32 $0x1  }
0xbe: {  	_ =	sfence.sel $0xFFFF  }
0xbf: {  	[dreg:$0x0] =	wrdreg $0xFFFFFFFF;
	(pc) =	sbr.abs _section_cstart, $3  }
0xc0: {  	[dreg:$0x1] =	wrdreg $0xFFFFFFFF  }
0xc1: {  	_ =	task.clear_ibuf [dreg:s7], $0x2FFFF;
	_ =	strace $0x9FFFFFFF  }
0xc2: {  	(tm) =	ssettm $0x7FFFFFFF  }
0xc3: {  	_ =	shalt  }
tec
execute0_lowered:
.L_overlay_start_1:
0x0: {  	(tag) =	ssettag $0x1  }
0x1: {  	s0 =	rddreg [dreg:$0x0]  }
0x2: {  	s1 =	rddreg [dreg:$0x1];
	s2 =	simm.s32 $0x0  }
0x3: {  	s3 =	srdreg.scid;
	s4 =	stileid.u32;
	s17 =	simm.s32 $0x4000  }
0x4: {  	s18 =	simm.s32 $0x8000;
	s19 =	simm.s32 $0x2000;
	s20 =	simm.s32 $0x6000  }
0x5: {  	s21 =	simm.s32 $0xA000;
	s22 =	simm.s32 $0x1;
	s23 =	simm.s32 $0x2  }
0x6: {  	s24 =	simm.s32 $0xC000;
	s25 =	simm.s32 $0x3;
	s26 =	simm.s32 $0x0  }
0x7: {  	[smem:$0x7FF] =	sst s2;
	s3 =	sand.u32 $0x1, s3;
	s4 =	sshll.u32 s4, $0x1  }
0x8: {  	s12 =	sadd.s32 $0x20E00, s0;
	s13 =	sadd.s32 $0xE00, s0;
	s4 =	sor.u32 s3, s4  }
0x9: {  	_ =	strace $0x80000047;
	s3 =	ssub.s32 $0x2, s3;
	s5 =	sshll.u32 s4, $0x4  }
0xa: {  	s6 =	sshrl.u32 s3, $0x1;
	s14 =	sshll.u32 s4, $0xC;
	s0 =	sadd.s32 s5, s0  }
0xb: {  	s16 =	ssub.s32 s3, s6;
	s3 =	sadd.s32 s12, s14;
	s4 =	sadd.s32 s13, s14  }
0xc: {  	s8 =	sor.u32 $0x400, s14;
	s5 =	sadd.s32 s1, s14;
	s11 =	sor.u32 $0x800, s14  }
0xd: {  	s14 =	sor.u32 $0xC00, s14;
	s6 =	sadd.s32 s12, s8;
	s7 =	sadd.s32 s13, s8  }
0xe: {  	s8 =	sadd.s32 s1, s8;
	s9 =	sadd.s32 s12, s11;
	s10 =	sadd.s32 s13, s11  }
0xf: {  	s11 =	sadd.s32 s1, s11;
	s12 =	sadd.s32 s12, s14;
	s13 =	sadd.s32 s13, s14  }
0x10: {  	v0 =	vimm.f32 $1.000000000e+00;
	s14 =	sadd.s32 s1, s14;
	s15 =	sadd.s32 $0x40E00, s0;
	s16 =	smax.u32 s16, $0x1  }
.LBB2_1:
0x11: {  	[tilespmem:s2], [sflag:$0x1] =	stream.linear.gather [hbm4b:s3+s2], $0x2000, $0x38;
	[tilespmem:$0xC080] =	vst v63  }
0x12: {  	_ = 	snop  }
0x13: {  	[tilespmem:s17], [sflag:$0x1] =	stream.linear.gather [hbm4b:s4+s2], $0x2000, $0x38;
	[tilespmem:$0xC080] =	vst v63  }
0x14: {  	_ = 	snop  }
0x15: {  	[tilespmem:s18], [sflag:$0x1] =	stream.linear.gather [hbm4b:s5+s2], $0x2000, $0x38;
	[tilespmem:$0xC080] =	vst v63  }
0x16: {  	_ = 	snop  }
0x17: {  	[tilespmem:s19], [sflag:$0x2] =	stream.linear.gather [hbm4b:s6+s2], $0x2000, $0x38;
	[tilespmem:$0xC080] =	vst v63  }
0x18: {  	_ = 	snop  }
0x19: {  	[tilespmem:s20], [sflag:$0x2] =	stream.linear.gather [hbm4b:s7+s2], $0x2000, $0x38;
	[tilespmem:$0xC080] =	vst v63  }
0x1a: {  	_ = 	snop  }
0x1b: {  	[tilespmem:s21], [sflag:$0x2] =	stream.linear.gather [hbm4b:s8+s2], $0x2000, $0x38;
	[tilespmem:$0xC080] =	vst v63  }
0x1c: {  	_ =	swait.ge [sflag:s22], $0x2000  }
0x1d: {  	[sflag:s22] =	ssyncset.done $0x0  }
0x1e: {  	[sflag:s22] =	ssyncadd.s32 $0xFFFFE000  }
0x1f: {  	_ =	swait.ge [sflag:s22], $0x2000  }
0x20: {  	[sflag:s22] =	ssyncset.done $0x0  }
0x21: {  	[sflag:s22] =	ssyncadd.s32 $0xFFFFE000  }
0x22: {  	_ =	swait.ge [sflag:s22], $0x2000  }
0x23: {  	[sflag:s22] =	ssyncset.done $0x0  }
0x24: {  	s1 =	simm.s32 $0x0;
	[sflag:s22] =	ssyncadd.s32 $0xFFFFE000  }
0x25: {  	v1 =	vld [tilespmem:s1+$0x4000]  }
0x26: {  	v2 =	vld [tilespmem:s1+$0x0];
	_ =	sdelay $0x4  }
0x27: {  	v11 =	vsub.f32 v1, v2;
	_ =	sdelay $0x1  }
0x28: {  	v1 =	vand.u32 $0x7FFFFFFF, v11  }
0x29: {  	s0 =	simm.s32 $0x10;
	v1 =	vsub.f32 $0.0e+00, v1  }
0x2a: {  	v3 =	vld [tilespmem:s0+$0x0]  }
0x2b: {  	v2 =	vld [tilespmem:s0+$0x4000];
	v1 =	vmul.f32 $1.442695020e+00, v1;
	_ =	sdelay $0x1  }
0x2c: {  	(erf) = vpow2.f32 v1;
	_ =	sdelay $0x2  }
0x2d: {  	s28 =	simm.s32 $0x20;
	v4 =	vsub.f32 v2, v3  }
0x2e: {  	v2 =	vld [tilespmem:s28+$0x4000]  }
0x2f: {  	v3 =	vld [tilespmem:s28+$0x0];
	v1 =	vand.u32 $0x7FFFFFFF, v4  }
0x30: {  	v1 =	vsub.f32 $0.0e+00, v1;
	_ =	sdelay $0x1  }
0x31: {  	v1 =	vmul.f32 $1.442695020e+00, v1  }
0x32: {  	v5 =	vpop (erf)  }
0x33: {  	(erf) = vpow2.f32 v1;
	v1 =	vsub.f32 v2, v3;
	v2 =	vmul.f32 $-1.741411720e-02, v5;
	_ =	sdelay $0x1  }
0x34: {  	v2 =	vadd.f32 $8.269142350e-02, v2;
	_ =	sdelay $0x1  }
0x35: {  	s29 =	simm.s32 $0x30;
	v3 =	vand.u32 $0x7FFFFFFF, v1;
	v2 =	vmul.f32 v2, v5  }
0x36: {  	v6 =	vld [tilespmem:s29+$0x4000];
	v3 =	vsub.f32 $0.0e+00, v3  }
0x37: {  	v7 =	vld [tilespmem:s29+$0x0];
	v2 =	vadd.f32 $-1.903546300e-01, v2  }
0x38: {  	v3 =	vmul.f32 $1.442695020e+00, v3  }
0x39: {  	v2 =	vmul.f32 v2, v5  }
0x3a: {  	(erf) = vpow2.f32 v3;
	v8 =	vpop (erf)  }
0x3b: {  	v3 =	vmul.f32 $-1.741411720e-02, v8;
	v9 =	vadd.f32 $3.157475290e-01, v2  }
0x3c: {  	v2 =	vsub.f32 v6, v7  }
0x3d: {  	s30 =	simm.s32 $0x40;
	v13 =	vld [tilespmem:s1+$0x8000];
	v3 =	vadd.f32 $8.269142350e-02, v3;
	v6 =	vmul.f32 v9, v5  }
0x3e: {  	v7 =	vld [tilespmem:s30+$0x4000];
	v10 =	vand.u32 $0x7FFFFFFF, v2  }
0x3f: {  	v3 =	vmul.f32 v3, v8;
	v9 =	vld [tilespmem:s30+$0x0];
	v10 =	vsub.f32 $0.0e+00, v10;
	v6 =	vadd.f32 $-4.973732830e-01, v6;
	_ =	sdelay $0x1  }
0x40: {  	v3 =	vadd.f32 $-1.903546300e-01, v3;
	v12 =	vmul.f32 $1.442695020e+00, v10  }
0x41: {  	v14 =	vmul.f32 v6, v5  }
0x42: {  	vm0 =	veq.s32 v13, $0x0;
	v15 =	vmul.f32 v3, v8;
	v6 =	vpop (erf);
	(erf) = vpow2.f32 v12  }
0x43: {  	v3 =	vsub.f32 v7, v9;
	v9 =	vadd.f32 $9.998477100e-01, v14;
	v7 =	vmul.f32 $-1.741411720e-02, v6  }
0x44: {  	v10 =	vimm.f32 $0.0e+00;
	v12 =	vadd.f32 $3.157475290e-01, v15;
	v15 =	vsub.f32 $0.0e+00, v11  }
0x45: {  	s31 =	simm.s32 $0x50;
	v14 =	vand.u32 $0x7FFFFFFF, v3;
	v16 =	vmul.f32 v9, v5;
	v7 =	vadd.f32 $8.269142350e-02, v7  }
0x46: {  	v9 =	vsub.f32 $0.0e+00, v14;
	v5 =	vld [tilespmem:s31+$0x4000];
	v14 =	vmul.f32 v12, v8;
	v15 =	vsel vm0, v11, v15  }
0x47: {  	s1 =	simm.s32 $0x180;
	v11 =	vimm.f32 $0.0e+00;
	v12 =	vadd.f32 $1.471613930e-06, v16;
	v13 =	vmul.f32 v7, v6;
	v7 =	vld [tilespmem:s31+$0x0]  }
.LBB2_2:
0x48: {  	p0 =	sne.s32 s1, $0x7FC0;
	v14 =	vadd.f32 $-4.973732830e-01, v14;
	v15 =	vmax.f32 v15, $0.0e+00;
	v16 =	vsel vm0, $0x0, v0;
	v17 =	vmovc v2;
	v2 =	vmovc v3  }
0x49: {  	v3 =	vmul.f32 $1.442695020e+00, v9;
	v9 =	vadd.f32 $-1.903546300e-01, v13;
	v12 =	vadd.f32 v12, v15  }
0x4a: {  	v10 =	vadd.f32 v16, v10;
	v13 =	vld [tilespmem:s0+$0x8000];
	v14 =	vmul.f32 v14, v8;
	s0 =	smov.u32 s28;
	s28 =	smov.u32 s29;
	s29 =	smov.u32 s30  }
0x4b: {  	s30 =	smov.u32 s31;
	(erf) = vpow2.f32 v3;
	v15 =	vpop (erf);
	v9 =	vmul.f32 v9, v6;
	v11 =	vadd.f32 v12, v11  }
.Ltmp0:
0x4c: {  	v3 =	vsub.f32 v5, v7;
	v5 =	vmul.f32 $-1.741411720e-02, v15;
	v7 =	vadd.f32 $9.998477100e-01, v14;
	(pc) =	sbr.rel @p0 .LBB2_2-.Ltmp0, $4  }
0x4d: {  	v16 =	vsub.f32 $0.0e+00, v4;
	v12 =	vadd.f32 $3.157475290e-01, v9  }
0x4e: {  	s31 =	sshra.s32 s1, $0x2;
	v9 =	vand.u32 $0x7FFFFFFF, v3;
	v18 =	vadd.f32 $8.269142350e-02, v5;
	v19 =	vmul.f32 v7, v8;
	v8 =	vmovc v6;
	v6 =	vmovc v15  }
0x4f: {  	v5 =	vld [tilespmem:s31+$0x4000];
	v9 =	vsub.f32 $0.0e+00, v9;
	v14 =	vmul.f32 v12, v8;
	vm0 =	veq.s32 v13, $0x0  }
0x50: {  	s1 =	sadd.s32 $0x40, s1;
	v7 =	vld [tilespmem:s31+$0x0];
	v13 =	vmul.f32 v18, v6;
	v12 =	vadd.f32 $1.471613930e-06, v19;
	v15 =	vsel vm0, v4, v16;
	v4 =	vmovc v1;
	v1 =	vmovc v17  }
0x51: {  	_ =	sdelay $0x3  }
0x52: {  	v5 =	vsub.f32 v5, v7;
	_ =	sdelay $0x1  }
0x53: {  	v7 =	vand.u32 $0x7FFFFFFF, v5  }
0x54: {  	v7 =	vsub.f32 $0.0e+00, v7  }
0x55: {  	v9 =	vmul.f32 $1.442695020e+00, v9  }
0x56: {  	v7 =	vmul.f32 $1.442695020e+00, v7  }
0x57: {  	(erf) = vpow2.f32 v9  }
0x58: {  	(erf) = vpow2.f32 v7  }
0x59: {  	v16 =	vld [tilespmem:s0+$0x8000]  }
0x5a: {  	v17 =	vld [tilespmem:s28+$0x8000]  }
0x5b: {  	v18 =	vld [tilespmem:s29+$0x8000]  }
0x5c: {  	v19 =	vld [tilespmem:s30+$0x8000];
	s1 =	simm.s32 $0x0  }
0x5d: {  	v7 =	vld [tilespmem:s31+$0x8000];
	[tilespmem:s1], [sflag:$0x1] =	stream.linear.gather [hbm4b:s9+s1], $0x2000, $0x38  }
0x5e: {  	_ = 	snop  }
0x5f: {  	v20 =	vpop (erf);
	[tilespmem:s17], [sflag:$0x1] =	stream.linear.gather [hbm4b:s10+s1], $0x2000, $0x38;
	[tilespmem:$0xC080] =	vst v63  }
0x60: {  	v21 =	vpop (erf)  }
0x61: {  	[tilespmem:s18], [sflag:$0x1] =	stream.linear.gather [hbm4b:s11+s1], $0x2000, $0x38;
	v9 =	vpop (erf);
	[tilespmem:$0xC080] =	vst v63  }
0x62: {  	_ =	swait.ge [sflag:s23], $0x2000  }
0x63: {  	v22 =	vmul.f32 $-1.741411720e-02, v20;
	[sflag:s23] =	ssyncset.done $0x0  }
0x64: {  	v15 =	vmax.f32 v15, $0.0e+00;
	[sflag:s23] =	ssyncadd.s32 $0xFFFFE000  }
0x65: {  	v12 =	vadd.f32 v12, v15;
	v15 =	vadd.f32 $8.269142350e-02, v22;
	_ =	swait.ge [sflag:s23], $0x2000  }
0x66: {  	v14 =	vadd.f32 $-4.973732830e-01, v14;
	v13 =	vadd.f32 $-1.903546300e-01, v13;
	[sflag:s23] =	ssyncset.done $0x0  }
0x67: {  	v15 =	vmul.f32 v15, v20;
	[sflag:s23] =	ssyncadd.s32 $0xFFFFE000  }
0x68: {  	v14 =	vmul.f32 v14, v8;
	v13 =	vmul.f32 v13, v6;
	_ =	swait.ge [sflag:s23], $0x2000  }
0x69: {  	v11 =	vadd.f32 v12, v11;
	v12 =	vadd.f32 $-1.903546300e-01, v15;
	[sflag:s23] =	ssyncset.done $0x0  }
0x6a: {  	v14 =	vadd.f32 $9.998477100e-01, v14;
	v13 =	vadd.f32 $3.157475290e-01, v13;
	s1 =	simm.s32 $0x0;
	[sflag:s23] =	ssyncadd.s32 $0xFFFFE000  }
0x6b: {  	v12 =	vmul.f32 v12, v20;
	v63 =	vld [tilespmem:s1+$0x6000]  }
0x6c: {  	v24 =	vsub.f32 $0.0e+00, v4;
	v8 =	vmul.f32 v14, v8;
	v13 =	vmul.f32 v13, v6;
	v14 =	vld [tilespmem:s1+$0x2000]  }
0x6d: {  	v23 =	vsel vm0, $0x0, v0;
	vm0 =	veq.s32 v16, $0x0;
	v12 =	vadd.f32 $3.157475290e-01, v12  }
0x6e: {  	v4 =	vsel vm0, v4, v24;
	v8 =	vadd.f32 $1.471613930e-06, v8;
	v13 =	vadd.f32 $-4.973732830e-01, v13  }
0x6f: {  	v4 =	vmax.f32 v4, $0.0e+00;
	v12 =	vmul.f32 v12, v20  }
0x70: {  	v10 =	vadd.f32 v23, v10;
	v4 =	vadd.f32 v8, v4;
	v13 =	vmul.f32 v13, v6  }
0x71: {  	v12 =	vadd.f32 $-4.973732830e-01, v12;
	v8 =	vsub.f32 v63, v14  }
0x72: {  	v15 =	vsel vm0, $0x0, v0;
	v16 =	vmul.f32 $-1.741411720e-02, v21;
	v13 =	vadd.f32 $9.998477100e-01, v13  }
0x73: {  	v10 =	vadd.f32 v15, v10;
	v12 =	vmul.f32 v12, v20;
	v15 =	vand.u32 $0x7FFFFFFF, v8  }
0x74: {  	s28 =	simm.s32 $0x10;
	v6 =	vmul.f32 v13, v6;
	v14 =	vadd.f32 $8.269142350e-02, v16;
	v13 =	vsub.f32 $0.0e+00, v15  }
0x75: {  	v4 =	vadd.f32 v4, v11;
	v12 =	vadd.f32 $9.998477100e-01, v12;
	v11 =	vld [tilespmem:s28+$0x6000]  }
0x76: {  	v16 =	vld [tilespmem:s28+$0x2000];
	v14 =	vmul.f32 v14, v21;
	v13 =	vmul.f32 $1.442695020e+00, v13  }
0x77: {  	vm0 =	veq.s32 v17, $0x0;
	v12 =	vmul.f32 v12, v20;
	v15 =	vsub.f32 $0.0e+00, v1  }
0x78: {  	v14 =	vadd.f32 $-1.903546300e-01, v14;
	(erf) = vpow2.f32 v13;
	v13 =	vmul.f32 $-1.741411720e-02, v9  }
0x79: {  	v6 =	vadd.f32 $1.471613930e-06, v6;
	v12 =	vadd.f32 $1.471613930e-06, v12;
	v1 =	vsel vm0, v1, v15  }
0x7a: {  	v1 =	vmax.f32 v1, $0.0e+00;
	v14 =	vmul.f32 v14, v21;
	v13 =	vadd.f32 $8.269142350e-02, v13  }
0x7b: {  	v6 =	vadd.f32 v6, v1;
	v1 =	vsub.f32 v11, v16  }
0x7c: {  	v11 =	vsel vm0, $0x0, v0;
	v14 =	vadd.f32 $3.157475290e-01, v14;
	v13 =	vmul.f32 v13, v9  }
0x7d: {  	v10 =	vadd.f32 v11, v10;
	v11 =	vsub.f32 $0.0e+00, v2  }
0x7e: {  	s29 =	simm.s32 $0x20;
	v15 =	vand.u32 $0x7FFFFFFF, v1;
	v14 =	vmul.f32 v14, v21;
	v13 =	vadd.f32 $-1.903546300e-01, v13  }
0x7f: {  	vm0 =	veq.s32 v18, $0x0;
	v16 =	vld [tilespmem:s29+$0x6000];
	v4 =	vadd.f32 v6, v4;
	v15 =	vsub.f32 $0.0e+00, v15  }
0x80: {  	v2 =	vsel vm0, v2, v11;
	v11 =	vadd.f32 $-4.973732830e-01, v14;
	v14 =	vld [tilespmem:s29+$0x2000];
	v13 =	vmul.f32 v13, v9  }
0x81: {  	v6 =	vsel vm0, $0x0, v0;
	v2 =	vmax.f32 v2, $0.0e+00;
	v15 =	vmul.f32 $1.442695020e+00, v15  }
0x82: {  	v2 =	vadd.f32 v12, v2;
	v11 =	vmul.f32 v11, v21;
	v12 =	vadd.f32 $3.157475290e-01, v13  }
0x83: {  	v10 =	vadd.f32 v6, v10  }
0x84: {  	(erf) = vpow2.f32 v15;
	v11 =	vadd.f32 $9.998477100e-01, v11;
	v13 =	vpop (erf);
	v12 =	vmul.f32 v12, v9  }
0x85: {  	v4 =	vadd.f32 v2, v4;
	v2 =	vsub.f32 v16, v14;
	v6 =	vmul.f32 $-1.741411720e-02, v13  }
0x86: {  	v14 =	vsub.f32 $0.0e+00, v3;
	v11 =	vmul.f32 v11, v21;
	v12 =	vadd.f32 $-4.973732830e-01, v12  }
0x87: {  	vm0 =	veq.s32 v19, $0x0;
	v15 =	vand.u32 $0x7FFFFFFF, v2;
	v6 =	vadd.f32 $8.269142350e-02, v6  }
0x88: {  	s30 =	simm.s32 $0x30;
	v3 =	vsel vm0, v3, v14;
	v11 =	vadd.f32 $1.471613930e-06, v11;
	v12 =	vmul.f32 v12, v9  }
0x89: {  	v14 =	vld [tilespmem:s30+$0x6000];
	v15 =	vsub.f32 $0.0e+00, v15;
	v3 =	vmax.f32 v3, $0.0e+00;
	v6 =	vmul.f32 v6, v13  }
0x8a: {  	v11 =	vadd.f32 v11, v3;
	v3 =	vadd.f32 $9.998477100e-01, v12;
	v12 =	vld [tilespmem:s30+$0x2000]  }
0x8b: {  	v15 =	vmul.f32 $1.442695020e+00, v15;
	v16 =	vadd.f32 $-1.903546300e-01, v6  }
0x8c: {  	v17 =	vsel vm0, $0x0, v0;
	v3 =	vmul.f32 v3, v9  }
0x8d: {  	(erf) = vpow2.f32 v15;
	v6 =	vpop (erf);
	v15 =	vmul.f32 v16, v13;
	v16 =	vsub.f32 $0.0e+00, v5  }
0x8e: {  	vm0 =	veq.s32 v7, $0x0;
	v9 =	vmul.f32 $-1.741411720e-02, v6;
	v7 =	vadd.f32 $1.471613930e-06, v3  }
0x8f: {  	v15 =	vadd.f32 $3.157475290e-01, v15;
	v5 =	vsel vm0, v5, v16;
	v3 =	vsub.f32 v14, v12  }
0x90: {  	s31 =	simm.s32 $0x40;
	v9 =	vadd.f32 $8.269142350e-02, v9;
	v5 =	vmax.f32 v5, $0.0e+00  }
0x91: {  	v12 =	vld [tilespmem:s31+$0x6000];
	v14 =	vmul.f32 v15, v13;
	v5 =	vadd.f32 v7, v5;
	v7 =	vand.u32 $0x7FFFFFFF, v3  }
0x92: {  	v4 =	vadd.f32 v11, v4;
	v15 =	vld [tilespmem:s31+$0x2000];
	v9 =	vmul.f32 v9, v6;
	v7 =	vsub.f32 $0.0e+00, v7  }
0x93: {  	v10 =	vadd.f32 v17, v10;
	v11 =	vsel vm0, $0x0, v0;
	v14 =	vadd.f32 $-4.973732830e-01, v14  }
0x94: {  	v16 =	vadd.f32 $-1.903546300e-01, v9;
	v9 =	vadd.f32 v5, v4;
	v5 =	vmul.f32 $1.442695020e+00, v7  }
0x95: {  	v11 =	vadd.f32 v11, v10;
	v10 =	vld [tilespmem:s1+$0xA000];
	v14 =	vmul.f32 v14, v13  }
0x96: {  	v7 =	vpop (erf);
	v16 =	vmul.f32 v16, v6;
	(erf) = vpow2.f32 v5  }
0x97: {  	v4 =	vsub.f32 v12, v15;
	v12 =	vmul.f32 $-1.741411720e-02, v7;
	v14 =	vadd.f32 $9.998477100e-01, v14  }
0x98: {  	v17 =	vsub.f32 $0.0e+00, v8;
	v15 =	vadd.f32 $3.157475290e-01, v16  }
0x99: {  	s0 =	simm.s32 $0x50;
	v16 =	vand.u32 $0x7FFFFFFF, v4;
	v12 =	vadd.f32 $8.269142350e-02, v12;
	v18 =	vmul.f32 v14, v13  }
0x9a: {  	vm0 =	veq.s32 v10, $0x0;
	v10 =	vld [tilespmem:s0+$0x2000];
	v16 =	vsub.f32 $0.0e+00, v16;
	v13 =	vmul.f32 v15, v6  }
0x9b: {  	s1 =	simm.s32 $0x180;
	v5 =	vld [tilespmem:s0+$0x6000];
	v15 =	vsel vm0, v8, v17;
	v14 =	vmul.f32 v12, v7;
	v12 =	vadd.f32 $1.471613930e-06, v18  }
.LBB2_4:
0x9c: {  	p0 =	sne.s32 s1, $0x7FC0;
	v8 =	vadd.f32 $-4.973732830e-01, v13;
	v13 =	vmax.f32 v15, $0.0e+00;
	v15 =	vsel vm0, $0x0, v0;
	v17 =	vmovc v3;
	v3 =	vmovc v4  }
0x9d: {  	v4 =	vmul.f32 $1.442695020e+00, v16;
	v14 =	vadd.f32 $-1.903546300e-01, v14;
	v12 =	vadd.f32 v12, v13  }
0x9e: {  	v11 =	vadd.f32 v15, v11;
	v18 =	vld [tilespmem:s28+$0xA000];
	v8 =	vmul.f32 v8, v6;
	s28 =	smov.u32 s29;
	s29 =	smov.u32 s30;
	s30 =	smov.u32 s31  }
0x9f: {  	s31 =	smov.u32 s0;
	(erf) = vpow2.f32 v4;
	v13 =	vpop (erf);
	v14 =	vmul.f32 v14, v7;
	v9 =	vadd.f32 v12, v9  }
.Ltmp1:
0xa0: {  	v4 =	vsub.f32 v5, v10;
	v5 =	vmul.f32 $-1.741411720e-02, v13;
	v8 =	vadd.f32 $9.998477100e-01, v8;
	(pc) =	sbr.rel @p0 .LBB2_4-.Ltmp1, $4  }
0xa1: {  	v15 =	vsub.f32 $0.0e+00, v1;
	v10 =	vadd.f32 $3.157475290e-01, v14  }
0xa2: {  	s0 =	sshra.s32 s1, $0x2;
	v12 =	vand.u32 $0x7FFFFFFF, v4;
	v14 =	vadd.f32 $8.269142350e-02, v5;
	v8 =	vmul.f32 v8, v6;
	v6 =	vmovc v7;
	v7 =	vmovc v13  }
0xa3: {  	v5 =	vld [tilespmem:s0+$0x6000];
	v16 =	vsub.f32 $0.0e+00, v12;
	v13 =	vmul.f32 v10, v6;
	vm0 =	veq.s32 v18, $0x0  }
0xa4: {  	s1 =	sadd.s32 $0x40, s1;
	v10 =	vld [tilespmem:s0+$0x2000];
	v14 =	vmul.f32 v14, v7;
	v12 =	vadd.f32 $1.471613930e-06, v8;
	v15 =	vsel vm0, v1, v15;
	v1 =	vmovc v2;
	v2 =	vmovc v17  }
0xa5: {  	_ =	sdelay $0x3  }
0xa6: {  	v5 =	vsub.f32 v5, v10;
	_ =	sdelay $0x1  }
0xa7: {  	v8 =	vand.u32 $0x7FFFFFFF, v5  }
0xa8: {  	v8 =	vsub.f32 $0.0e+00, v8  }
0xa9: {  	v10 =	vmul.f32 $1.442695020e+00, v16  }
0xaa: {  	v8 =	vmul.f32 $1.442695020e+00, v8  }
0xab: {  	(erf) = vpow2.f32 v10  }
0xac: {  	(erf) = vpow2.f32 v8  }
0xad: {  	v17 =	vld [tilespmem:s29+$0xA000]  }
0xae: {  	v18 =	vld [tilespmem:s30+$0xA000]  }
0xaf: {  	v19 =	vld [tilespmem:s31+$0xA000]  }
0xb0: {  	s1 =	simm.s32 $0x0;
	v16 =	vld [tilespmem:s28+$0xA000]  }
0xb1: {  	v8 =	vld [tilespmem:s0+$0xA000];
	[tilespmem:s19], [sflag:$0x2] =	stream.linear.gather [hbm4b:s12+s1], $0x2000, $0x38  }
0xb2: {  	_ = 	snop  }
0xb3: {  	v20 =	vpop (erf);
	[tilespmem:s20], [sflag:$0x2] =	stream.linear.gather [hbm4b:s13+s1], $0x2000, $0x38;
	[tilespmem:$0xC080] =	vst v63  }
0xb4: {  	v21 =	vpop (erf)  }
0xb5: {  	[tilespmem:s21], [sflag:$0x2] =	stream.linear.gather [hbm4b:s14+s1], $0x2000, $0x38;
	v10 =	vpop (erf);
	[tilespmem:$0xC080] =	vst v63  }
0xb6: {  	v13 =	vadd.f32 $-4.973732830e-01, v13;
	_ =	swait.ge [sflag:s22], $0x2000  }
0xb7: {  	v14 =	vadd.f32 $-1.903546300e-01, v14;
	[sflag:s22] =	ssyncset.done $0x0  }
0xb8: {  	v13 =	vmul.f32 v13, v6;
	[sflag:s22] =	ssyncadd.s32 $0xFFFFE000  }
0xb9: {  	v15 =	vmax.f32 v15, $0.0e+00;
	v14 =	vmul.f32 v14, v7;
	v22 =	vmul.f32 $-1.741411720e-02, v20;
	_ =	swait.ge [sflag:s22], $0x2000  }
0xba: {  	v12 =	vadd.f32 v12, v15;
	v13 =	vadd.f32 $9.998477100e-01, v13;
	[sflag:s22] =	ssyncset.done $0x0  }
0xbb: {  	v14 =	vadd.f32 $3.157475290e-01, v14;
	v15 =	vadd.f32 $8.269142350e-02, v22;
	[sflag:s22] =	ssyncadd.s32 $0xFFFFE000  }
0xbc: {  	v23 =	vsel vm0, $0x0, v0;
	v6 =	vmul.f32 v13, v6;
	_ =	swait.ge [sflag:s22], $0x2000  }
0xbd: {  	v24 =	vsub.f32 $0.0e+00, v1;
	v13 =	vmul.f32 v14, v7;
	v15 =	vmul.f32 v15, v20;
	[sflag:s22] =	ssyncset.done $0x0  }
0xbe: {  	v12 =	vadd.f32 v12, v9;
	v6 =	vadd.f32 $1.471613930e-06, v6;
	vm0 =	veq.s32 v16, $0x0;
	s1 =	simm.s32 $0x0;
	[sflag:s22] =	ssyncadd.s32 $0xFFFFE000  }
0xbf: {  	v13 =	vadd.f32 $-4.973732830e-01, v13;
	v1 =	vsel vm0, v1, v24;
	v9 =	vadd.f32 $-1.903546300e-01, v15;
	v63 =	vld [tilespmem:s1+$0x4000]  }
0xc0: {  	v1 =	vmax.f32 v1, $0.0e+00;
	v14 =	vld [tilespmem:s1+$0x0]  }
0xc1: {  	v1 =	vadd.f32 v6, v1;
	v6 =	vmul.f32 v13, v7;
	v13 =	vmul.f32 v9, v20;
	_ =	sdelay $0x1  }
0xc2: {  	v13 =	vadd.f32 $3.157475290e-01, v13  }
0xc3: {  	v11 =	vadd.f32 v23, v11;
	v15 =	vsel vm0, $0x0, v0  }
0xc4: {  	v16 =	vmul.f32 $-1.741411720e-02, v21;
	v13 =	vmul.f32 v13, v20;
	v9 =	vsub.f32 v63, v14  }
0xc5: {  	v11 =	vadd.f32 v15, v11;
	v6 =	vadd.f32 $9.998477100e-01, v6  }
0xc6: {  	v13 =	vadd.f32 $-4.973732830e-01, v13;
	v14 =	vadd.f32 $8.269142350e-02, v16;
	v15 =	vand.u32 $0x7FFFFFFF, v9  }
0xc7: {  	s28 =	simm.s32 $0x10;
	v12 =	vadd.f32 v1, v12;
	v1 =	vmul.f32 v6, v7;
	v7 =	vsub.f32 $0.0e+00, v15  }
0xc8: {  	v13 =	vmul.f32 v13, v20;
	v6 =	vld [tilespmem:s28+$0x4000];
	v14 =	vmul.f32 v14, v21  }
0xc9: {  	v1 =	vadd.f32 $1.471613930e-06, v1;
	v16 =	vld [tilespmem:s28+$0x0];
	v15 =	vsub.f32 $0.0e+00, v2;
	v7 =	vmul.f32 $1.442695020e+00, v7  }
0xca: {  	vm0 =	veq.s32 v17, $0x0;
	v13 =	vadd.f32 $9.998477100e-01, v13;
	v14 =	vadd.f32 $-1.903546300e-01, v14  }
0xcb: {  	v2 =	vsel vm0, v2, v15;
	(erf) = vpow2.f32 v7;
	v7 =	vmul.f32 $-1.741411720e-02, v10  }
0xcc: {  	v2 =	vmax.f32 v2, $0.0e+00;
	v14 =	vmul.f32 v14, v21  }
0xcd: {  	v13 =	vmul.f32 v13, v20;
	v2 =	vadd.f32 v1, v2;
	v7 =	vadd.f32 $8.269142350e-02, v7  }
0xce: {  	v1 =	vsub.f32 v6, v16;
	v6 =	vsel vm0, $0x0, v0;
	v14 =	vadd.f32 $3.157475290e-01, v14  }
0xcf: {  	v13 =	vadd.f32 $1.471613930e-06, v13;
	v6 =	vadd.f32 v6, v11;
	v7 =	vmul.f32 v7, v10  }
0xd0: {  	s29 =	simm.s32 $0x20;
	v11 =	vsub.f32 $0.0e+00, v3;
	v15 =	vand.u32 $0x7FFFFFFF, v1;
	v14 =	vmul.f32 v14, v21  }
0xd1: {  	vm0 =	veq.s32 v18, $0x0;
	v16 =	vld [tilespmem:s29+$0x4000];
	v15 =	vsub.f32 $0.0e+00, v15;
	v7 =	vadd.f32 $-1.903546300e-01, v7  }
0xd2: {  	v2 =	vadd.f32 v2, v12;
	v3 =	vsel vm0, v3, v11;
	v11 =	vadd.f32 $-4.973732830e-01, v14;
	v14 =	vld [tilespmem:s29+$0x0]  }
0xd3: {  	v3 =	vmax.f32 v3, $0.0e+00;
	v15 =	vmul.f32 $1.442695020e+00, v15;
	v7 =	vmul.f32 v7, v10  }
0xd4: {  	v12 =	vsel vm0, $0x0, v0;
	v3 =	vadd.f32 v13, v3;
	v11 =	vmul.f32 v11, v21  }
0xd5: {  	v12 =	vadd.f32 v12, v6;
	(erf) = vpow2.f32 v15;
	v13 =	vpop (erf);
	v7 =	vadd.f32 $3.157475290e-01, v7  }
0xd6: {  	v15 =	vadd.f32 v3, v2;
	v6 =	vadd.f32 $9.998477100e-01, v11;
	v3 =	vmul.f32 $-1.741411720e-02, v13  }
0xd7: {  	v2 =	vsub.f32 v16, v14;
	v7 =	vmul.f32 v7, v10  }
0xd8: {  	vm0 =	veq.s32 v19, $0x0;
	v6 =	vmul.f32 v6, v21;
	v3 =	vadd.f32 $8.269142350e-02, v3  }
0xd9: {  	s30 =	simm.s32 $0x30;
	v11 =	vsub.f32 $0.0e+00, v4;
	v14 =	vand.u32 $0x7FFFFFFF, v2;
	v7 =	vadd.f32 $-4.973732830e-01, v7  }
0xda: {  	v16 =	vld [tilespmem:s30+$0x0];
	v14 =	vsub.f32 $0.0e+00, v14;
	v6 =	vadd.f32 $1.471613930e-06, v6;
	v3 =	vmul.f32 v3, v13  }
0xdb: {  	v4 =	vsel vm0, v4, v11;
	v11 =	vld [tilespmem:s30+$0x4000];
	v7 =	vmul.f32 v7, v10  }
0xdc: {  	v17 =	vsel vm0, $0x0, v0;
	v14 =	vmul.f32 $1.442695020e+00, v14;
	v3 =	vadd.f32 $-1.903546300e-01, v3  }
0xdd: {  	v12 =	vadd.f32 v17, v12;
	v4 =	vmax.f32 v4, $0.0e+00;
	v7 =	vadd.f32 $9.998477100e-01, v7  }
0xde: {  	v4 =	vadd.f32 v6, v4;
	(erf) = vpow2.f32 v14;
	v6 =	vpop (erf);
	v3 =	vmul.f32 v3, v13  }
0xdf: {  	v14 =	vsub.f32 $0.0e+00, v5;
	v7 =	vmul.f32 v7, v10;
	v10 =	vmul.f32 $-1.741411720e-02, v6  }
0xe0: {  	vm0 =	veq.s32 v8, $0x0;
	v17 =	vadd.f32 $3.157475290e-01, v3;
	v3 =	vsub.f32 v11, v16  }
0xe1: {  	v5 =	vsel vm0, v5, v14;
	v7 =	vadd.f32 $1.471613930e-06, v7;
	v8 =	vadd.f32 $8.269142350e-02, v10  }
0xe2: {  	s31 =	simm.s32 $0x40;
	v4 =	vadd.f32 v4, v15;
	v5 =	vmax.f32 v5, $0.0e+00;
	v10 =	vmul.f32 v17, v13  }
0xe3: {  	v15 =	vld [tilespmem:s31+$0x0];
	v8 =	vmul.f32 v8, v6;
	v5 =	vadd.f32 v7, v5;
	v7 =	vand.u32 $0x7FFFFFFF, v3  }
0xe4: {  	v14 =	vld [tilespmem:s31+$0x4000];
	v10 =	vadd.f32 $-4.973732830e-01, v10;
	v7 =	vsub.f32 $0.0e+00, v7  }
0xe5: {  	v11 =	vsel vm0, $0x0, v0;
	v8 =	vadd.f32 $-1.903546300e-01, v8  }
0xe6: {  	v16 =	vmul.f32 v10, v13;
	v10 =	vadd.f32 v5, v4;
	v5 =	vmul.f32 $1.442695020e+00, v7  }
0xe7: {  	v11 =	vadd.f32 v11, v12;
	v12 =	vld [tilespmem:s1+$0x8000]  }
0xe8: {  	v8 =	vmul.f32 v8, v6;
	v7 =	vpop (erf);
	(erf) = vpow2.f32 v5  }
0xe9: {  	v4 =	vsub.f32 v14, v15;
	v15 =	vadd.f32 $9.998477100e-01, v16;
	v14 =	vmul.f32 $-1.741411720e-02, v7  }
0xea: {  	v17 =	vsub.f32 $0.0e+00, v9;
	v8 =	vadd.f32 $3.157475290e-01, v8  }
0xeb: {  	s0 =	simm.s32 $0x50;
	v16 =	vand.u32 $0x7FFFFFFF, v4;
	v15 =	vmul.f32 v15, v13;
	v14 =	vadd.f32 $8.269142350e-02, v14  }
0xec: {  	vm0 =	veq.s32 v12, $0x0;
	v5 =	vld [tilespmem:s0+$0x4000];
	v16 =	vsub.f32 $0.0e+00, v16;
	v13 =	vmul.f32 v8, v6  }
0xed: {  	s1 =	simm.s32 $0x180;
	v8 =	vld [tilespmem:s0+$0x0];
	v12 =	vadd.f32 $1.471613930e-06, v15;
	v15 =	vsel vm0, v9, v17;
	v14 =	vmul.f32 v14, v7  }
.LBB2_6:
0xee: {  	p0 =	sne.s32 s1, $0x7FC0;
	v9 =	vadd.f32 $-4.973732830e-01, v13;
	v13 =	vmax.f32 v15, $0.0e+00;
	v15 =	vsel vm0, $0x0, v0;
	v17 =	vmovc v3;
	v3 =	vmovc v4  }
0xef: {  	v4 =	vmul.f32 $1.442695020e+00, v16;
	v14 =	vadd.f32 $-1.903546300e-01, v14;
	v12 =	vadd.f32 v12, v13  }
0xf0: {  	v11 =	vadd.f32 v15, v11;
	v18 =	vld [tilespmem:s28+$0x8000];
	v9 =	vmul.f32 v9, v6;
	s28 =	smov.u32 s29;
	s29 =	smov.u32 s30;
	s30 =	smov.u32 s31  }
0xf1: {  	s31 =	smov.u32 s0;
	(erf) = vpow2.f32 v4;
	v13 =	vpop (erf);
	v14 =	vmul.f32 v14, v7;
	v10 =	vadd.f32 v12, v10  }
.Ltmp2:
0xf2: {  	v4 =	vsub.f32 v5, v8;
	v5 =	vmul.f32 $-1.741411720e-02, v13;
	v8 =	vadd.f32 $9.998477100e-01, v9;
	(pc) =	sbr.rel @p0 .LBB2_6-.Ltmp2, $4  }
0xf3: {  	v15 =	vsub.f32 $0.0e+00, v1;
	v9 =	vadd.f32 $3.157475290e-01, v14  }
0xf4: {  	s0 =	sshra.s32 s1, $0x2;
	v12 =	vand.u32 $0x7FFFFFFF, v4;
	v14 =	vadd.f32 $8.269142350e-02, v5;
	v19 =	vmul.f32 v8, v6;
	v6 =	vmovc v7;
	v7 =	vmovc v13  }
0xf5: {  	v5 =	vld [tilespmem:s0+$0x4000];
	v16 =	vsub.f32 $0.0e+00, v12;
	v13 =	vmul.f32 v9, v6;
	vm0 =	veq.s32 v18, $0x0  }
0xf6: {  	s1 =	sadd.s32 $0x40, s1;
	v8 =	vld [tilespmem:s0+$0x0];
	v14 =	vmul.f32 v14, v7;
	v12 =	vadd.f32 $1.471613930e-06, v19;
	v15 =	vsel vm0, v1, v15;
	v1 =	vmovc v2;
	v2 =	vmovc v17  }
0xf7: {  	_ =	sdelay $0x3  }
0xf8: {  	v5 =	vsub.f32 v5, v8;
	_ =	sdelay $0x1  }
0xf9: {  	v8 =	vand.u32 $0x7FFFFFFF, v5  }
0xfa: {  	v8 =	vsub.f32 $0.0e+00, v8  }
0xfb: {  	v9 =	vmul.f32 $1.442695020e+00, v16  }
0xfc: {  	v8 =	vmul.f32 $1.442695020e+00, v8  }
0xfd: {  	(erf) = vpow2.f32 v9  }
0xfe: {  	(erf) = vpow2.f32 v8;
	_ =	sdelay $0x5  }
0xff: {  	v16 =	vld [tilespmem:s28+$0x8000]  }
0x100: {  	v17 =	vld [tilespmem:s29+$0x8000];
	v18 =	vpop (erf)  }
0x101: {  	v19 =	vld [tilespmem:s30+$0x8000];
	v20 =	vpop (erf)  }
0x102: {  	v21 =	vld [tilespmem:s31+$0x8000];
	v9 =	vpop (erf)  }
0x103: {  	v8 =	vld [tilespmem:s0+$0x8000];
	_ =	swait.ge [sflag:s23], $0x2000  }
0x104: {  	[sflag:s23] =	ssyncset.done $0x0  }
0x105: {  	[sflag:s23] =	ssyncadd.s32 $0xFFFFE000  }
0x106: {  	v22 =	vmul.f32 $-1.741411720e-02, v18;
	_ =	swait.ge [sflag:s23], $0x2000  }
0x107: {  	v13 =	vadd.f32 $-4.973732830e-01, v13;
	v15 =	vmax.f32 v15, $0.0e+00;
	v14 =	vadd.f32 $-1.903546300e-01, v14;
	[sflag:s23] =	ssyncset.done $0x0  }
0x108: {  	v12 =	vadd.f32 v12, v15;
	v15 =	vadd.f32 $8.269142350e-02, v22;
	[sflag:s23] =	ssyncadd.s32 $0xFFFFE000  }
0x109: {  	v13 =	vmul.f32 v13, v6;
	v14 =	vmul.f32 v14, v7;
	_ =	swait.ge [sflag:s23], $0x2000  }
0x10a: {  	v15 =	vmul.f32 v15, v18;
	[sflag:s23] =	ssyncset.done $0x0  }
0x10b: {  	s1 =	simm.s32 $0x0;
	v13 =	vadd.f32 $9.998477100e-01, v13;
	v14 =	vadd.f32 $3.157475290e-01, v14;
	[sflag:s23] =	ssyncadd.s32 $0xFFFFE000  }
0x10c: {  	v10 =	vadd.f32 v12, v10;
	v12 =	vadd.f32 $-1.903546300e-01, v15;
	v61 =	vld [tilespmem:s1+$0x6000]  }
0x10d: {  	v6 =	vmul.f32 v13, v6;
	v13 =	vmul.f32 v14, v7;
	v14 =	vld [tilespmem:s1+$0x2000]  }
0x10e: {  	v23 =	vsel vm0, $0x0, v0;
	v24 =	vsub.f32 $0.0e+00, v1;
	v12 =	vmul.f32 v12, v18  }
0x10f: {  	v11 =	vadd.f32 v23, v11;
	vm0 =	veq.s32 v16, $0x0;
	v13 =	vadd.f32 $-4.973732830e-01, v13  }
0x110: {  	v1 =	vsel vm0, v1, v24;
	v6 =	vadd.f32 $1.471613930e-06, v6;
	v12 =	vadd.f32 $3.157475290e-01, v12  }
0x111: {  	v1 =	vmax.f32 v1, $0.0e+00;
	v15 =	vsel vm0, $0x0, v0;
	v13 =	vmul.f32 v13, v7  }
0x112: {  	v1 =	vadd.f32 v6, v1;
	v12 =	vmul.f32 v12, v18;
	v6 =	vsub.f32 v61, v14  }
0x113: {  	v11 =	vadd.f32 v15, v11;
	v13 =	vadd.f32 $9.998477100e-01, v13  }
0x114: {  	v16 =	vmul.f32 $-1.741411720e-02, v20;
	v12 =	vadd.f32 $-4.973732830e-01, v12;
	v15 =	vand.u32 $0x7FFFFFFF, v6  }
0x115: {  	v10 =	vadd.f32 v1, v10;
	v1 =	vmul.f32 v13, v7;
	v13 =	vsub.f32 $0.0e+00, v15  }
0x116: {  	s29 =	simm.s32 $0x10;
	v12 =	vmul.f32 v12, v18;
	v14 =	vadd.f32 $8.269142350e-02, v16  }
0x117: {  	vm0 =	veq.s32 v17, $0x0;
	v7 =	vld [tilespmem:s29+$0x6000];
	v13 =	vmul.f32 $1.442695020e+00, v13  }
0x118: {  	v12 =	vadd.f32 $9.998477100e-01, v12;
	v16 =	vld [tilespmem:s29+$0x2000];
	v14 =	vmul.f32 v14, v20;
	v15 =	vsub.f32 $0.0e+00, v2  }
0x119: {  	v1 =	vadd.f32 $1.471613930e-06, v1;
	(erf) = vpow2.f32 v13;
	v13 =	vmul.f32 $-1.741411720e-02, v9  }
0x11a: {  	v12 =	vmul.f32 v12, v18;
	v14 =	vadd.f32 $-1.903546300e-01, v14;
	v2 =	vsel vm0, v2, v15  }
0x11b: {  	v2 =	vmax.f32 v2, $0.0e+00;
	v13 =	vadd.f32 $8.269142350e-02, v13  }
0x11c: {  	v12 =	vadd.f32 $1.471613930e-06, v12;
	v14 =	vmul.f32 v14, v20;
	v2 =	vadd.f32 v1, v2  }
0x11d: {  	v1 =	vsub.f32 v7, v16;
	v7 =	vsel vm0, $0x0, v0;
	v13 =	vmul.f32 v13, v9  }
0x11e: {  	v14 =	vadd.f32 $3.157475290e-01, v14;
	v7 =	vadd.f32 v7, v11  }
0x11f: {  	v11 =	vsub.f32 $0.0e+00, v3;
	v13 =	vadd.f32 $-1.903546300e-01, v13  }
0x120: {  	s28 =	simm.s32 $0x20;
	vm0 =	veq.s32 v19, $0x0;
	v15 =	vand.u32 $0x7FFFFFFF, v1;
	v14 =	vmul.f32 v14, v20  }
0x121: {  	v16 =	vld [tilespmem:s28+$0x6000];
	v15 =	vsub.f32 $0.0e+00, v15;
	v3 =	vsel vm0, v3, v11;
	v13 =	vmul.f32 v13, v9  }
0x122: {  	v3 =	vmax.f32 v3, $0.0e+00;
	v11 =	vadd.f32 $-4.973732830e-01, v14;
	v14 =	vld [tilespmem:s28+$0x2000]  }
0x123: {  	v2 =	vadd.f32 v2, v10;
	v15 =	vmul.f32 $1.442695020e+00, v15;
	v3 =	vadd.f32 v12, v3  }
0x124: {  	v10 =	vsel vm0, $0x0, v0;
	v11 =	vmul.f32 v11, v20;
	v12 =	vadd.f32 $3.157475290e-01, v13  }
0x125: {  	v10 =	vadd.f32 v10, v7;
	(erf) = vpow2.f32 v15;
	v15 =	vadd.f32 v3, v2;
	v13 =	vpop (erf)  }
0x126: {  	v7 =	vadd.f32 $9.998477100e-01, v11;
	v11 =	vmul.f32 v12, v9;
	v3 =	vmul.f32 $-1.741411720e-02, v13  }
0x127: {  	v2 =	vsub.f32 v16, v14  }
0x128: {  	v7 =	vmul.f32 v7, v20;
	v11 =	vadd.f32 $-4.973732830e-01, v11;
	v3 =	vadd.f32 $8.269142350e-02, v3  }
0x129: {  	vm0 =	veq.s32 v21, $0x0;
	v12 =	vsub.f32 $0.0e+00, v4;
	v14 =	vand.u32 $0x7FFFFFFF, v2  }
0x12a: {  	s30 =	simm.s32 $0x30;
	v7 =	vadd.f32 $1.471613930e-06, v7;
	v11 =	vmul.f32 v11, v9;
	v3 =	vmul.f32 v3, v13  }
0x12b: {  	v17 =	vsel vm0, $0x0, v0;
	v16 =	vld [tilespmem:s30+$0x2000];
	v14 =	vsub.f32 $0.0e+00, v14  }
0x12c: {  	v4 =	vsel vm0, v4, v12;
	v12 =	vld [tilespmem:s30+$0x6000];
	v11 =	vadd.f32 $9.998477100e-01, v11;
	v3 =	vadd.f32 $-1.903546300e-01, v3  }
0x12d: {  	v10 =	vadd.f32 v17, v10;
	v4 =	vmax.f32 v4, $0.0e+00;
	v14 =	vmul.f32 $1.442695020e+00, v14  }
0x12e: {  	v4 =	vadd.f32 v7, v4;
	v7 =	vpop (erf);
	v9 =	vmul.f32 v11, v9;
	v3 =	vmul.f32 v3, v13  }
0x12f: {  	(erf) = vpow2.f32 v14;
	v14 =	vsub.f32 $0.0e+00, v5;
	v11 =	vmul.f32 $-1.741411720e-02, v7  }
0x130: {  	vm0 =	veq.s32 v8, $0x0;
	v8 =	vadd.f32 $1.471613930e-06, v9;
	v17 =	vadd.f32 $3.157475290e-01, v3  }
0x131: {  	v5 =	vsel vm0, v5, v14;
	v9 =	vadd.f32 $8.269142350e-02, v11;
	v3 =	vsub.f32 v12, v16  }
0x132: {  	s31 =	simm.s32 $0x40;
	v5 =	vmax.f32 v5, $0.0e+00;
	v12 =	vmul.f32 v17, v13  }
0x133: {  	v14 =	vld [tilespmem:s31+$0x2000];
	v9 =	vmul.f32 v9, v7;
	v5 =	vadd.f32 v8, v5;
	v8 =	vand.u32 $0x7FFFFFFF, v3  }
0x134: {  	v11 =	vld [tilespmem:s31+$0x6000];
	v16 =	vsub.f32 $0.0e+00, v8;
	v12 =	vadd.f32 $-4.973732830e-01, v12  }
0x135: {  	v4 =	vadd.f32 v4, v15;
	v15 =	vsel vm0, $0x0, v0;
	v17 =	vadd.f32 $-1.903546300e-01, v9  }
0x136: {  	v62 =	vld [tilespmem:s1+$0xA000];
	v9 =	vadd.f32 v15, v10;
	v10 =	vmul.f32 v12, v13;
	v12 =	vmul.f32 $1.442695020e+00, v16;
	_ =	sdelay $0x1  }
0x137: {  	v8 =	vadd.f32 v5, v4;
	v5 =	vpop (erf);
	v15 =	vmul.f32 v17, v7;
	(erf) = vpow2.f32 v12  }
0x138: {  	v4 =	vsub.f32 v11, v14;
	v11 =	vmul.f32 $-1.741411720e-02, v5;
	v10 =	vadd.f32 $9.998477100e-01, v10  }
0x139: {  	v16 =	vsub.f32 $0.0e+00, v6;
	v12 =	vadd.f32 $3.157475290e-01, v15  }
0x13a: {  	s0 =	simm.s32 $0x50;
	vm0 =	veq.s32 v62, $0x0;
	v17 =	vadd.f32 $8.269142350e-02, v11;
	v63 =	vmul.f32 v10, v13  }
0x13b: {  	v14 =	vand.u32 $0x7FFFFFFF, v4;
	v11 =	vld [tilespmem:s0+$0x2000];
	v6 =	vsel vm0, v6, v16;
	v15 =	vmul.f32 v12, v7  }
0x13c: {  	s1 =	simm.s32 $0x180;
	v10 =	vld [tilespmem:s0+$0x6000];
	v13 =	vsub.f32 $0.0e+00, v14;
	v14 =	vmul.f32 v17, v5;
	v12 =	vadd.f32 $1.471613930e-06, v63  }
.LBB2_8:
0x13d: {  	p0 =	sne.s32 s1, $0x7FC0;
	v18 =	vadd.f32 $-4.973732830e-01, v15;
	v6 =	vmax.f32 v6, $0.0e+00;
	v16 =	vsel vm0, $0x0, v0;
	v17 =	vmovc v3;
	v3 =	vmovc v4  }
0x13e: {  	v4 =	vmul.f32 $1.442695020e+00, v13;
	v13 =	vadd.f32 $-1.903546300e-01, v14;
	v6 =	vadd.f32 v12, v6  }
0x13f: {  	v9 =	vadd.f32 v16, v9;
	v12 =	vld [tilespmem:s29+$0xA000];
	v14 =	vmul.f32 v18, v7;
	s29 =	smov.u32 s28;
	s28 =	smov.u32 s30;
	s30 =	smov.u32 s31  }
0x140: {  	s31 =	smov.u32 s0;
	(erf) = vpow2.f32 v4;
	v15 =	vpop (erf);
	v13 =	vmul.f32 v13, v5;
	v8 =	vadd.f32 v6, v8  }
.Ltmp3:
0x141: {  	v4 =	vsub.f32 v10, v11;
	v6 =	vmul.f32 $-1.741411720e-02, v15;
	v10 =	vadd.f32 $9.998477100e-01, v14;
	(pc) =	sbr.rel @p0 .LBB2_8-.Ltmp3, $4  }
0x142: {  	v16 =	vsub.f32 $0.0e+00, v1;
	v11 =	vadd.f32 $3.157475290e-01, v13  }
0x143: {  	s0 =	sshra.s32 s1, $0x2;
	v13 =	vand.u32 $0x7FFFFFFF, v4;
	v6 =	vadd.f32 $8.269142350e-02, v6;
	v18 =	vmul.f32 v10, v7;
	v7 =	vmovc v5;
	v5 =	vmovc v15  }
0x144: {  	v10 =	vld [tilespmem:s0+$0x6000];
	v13 =	vsub.f32 $0.0e+00, v13;
	v15 =	vmul.f32 v11, v7;
	vm0 =	veq.s32 v12, $0x0  }
0x145: {  	s1 =	sadd.s32 $0x40, s1;
	v11 =	vld [tilespmem:s0+$0x2000];
	v14 =	vmul.f32 v6, v5;
	v12 =	vadd.f32 $1.471613930e-06, v18;
	v6 =	vsel vm0, v1, v16;
	v1 =	vmovc v2;
	v2 =	vmovc v17  }
0x146: {  	_ =	sdelay $0x3  }
0x147: {  	v10 =	vsub.f32 v10, v11;
	_ =	sdelay $0x1  }
0x148: {  	v30 =	vand.u32 $0x7FFFFFFF, v10  }
0x149: {  	v29 =	vmul.f32 $1.442695020e+00, v13;
	v13 =	vsub.f32 $0.0e+00, v30;
	_ =	sdelay $0x1  }
0x14a: {  	(erf) = vpow2.f32 v29;
	v31 =	vmul.f32 $1.442695020e+00, v13;
	_ =	sdelay $0x1  }
0x14b: {  	(erf) = vpow2.f32 v31;
	_ =	sdelay $0x3  }
0x14c: {  	v32 =	vadd.f32 $-4.973732830e-01, v15;
	v6 =	vmax.f32 v6, $0.0e+00;
	v33 =	vpop (erf)  }
0x14d: {  	v17 =	vsub.f32 $0.0e+00, v1;
	v14 =	vadd.f32 $-1.903546300e-01, v14;
	v35 =	vmul.f32 $-1.741411720e-02, v33  }
0x14e: {  	v16 =	vsel vm0, $0x0, v0;
	v47 =	vsub.f32 $0.0e+00, v2;
	v55 =	vsub.f32 $0.0e+00, v3  }
0x14f: {  	v6 =	vadd.f32 v12, v6;
	v14 =	vmul.f32 v14, v5;
	v37 =	vadd.f32 $8.269142350e-02, v35;
	v36 =	vpop (erf)  }
0x150: {  	v34 =	vld [tilespmem:s29+$0xA000];
	v57 =	vsub.f32 $0.0e+00, v4;
	v11 =	vmul.f32 v32, v7;
	v38 =	vmul.f32 $-1.741411720e-02, v36  }
0x151: {  	v6 =	vadd.f32 v6, v8;
	v14 =	vadd.f32 $3.157475290e-01, v14;
	v8 =	vmul.f32 v37, v33;
	v41 =	vpop (erf)  }
0x152: {  	v11 =	vadd.f32 $9.998477100e-01, v11;
	v40 =	vadd.f32 $8.269142350e-02, v38;
	v42 =	vmul.f32 $-1.741411720e-02, v41  }
0x153: {  	v9 =	vadd.f32 v16, v9;
	v14 =	vmul.f32 v14, v5;
	v8 =	vadd.f32 $-1.903546300e-01, v8  }
0x154: {  	v39 =	vmul.f32 v11, v7;
	v11 =	vmul.f32 v40, v36;
	v15 =	vadd.f32 $8.269142350e-02, v42  }
0x155: {  	v44 =	vld [tilespmem:s28+$0xA000];
	vm12 =	veq.s32 v34, $0x0;
	v14 =	vadd.f32 $-4.973732830e-01, v14;
	v8 =	vmul.f32 v8, v33  }
0x156: {  	v1 =	vsel vm12, v1, v17;
	v11 =	vadd.f32 $-1.903546300e-01, v11;
	v15 =	vmul.f32 v15, v41  }
0x157: {  	v51 =	vld [tilespmem:s30+$0xA000];
	v7 =	vadd.f32 $1.471613930e-06, v39;
	v14 =	vmul.f32 v14, v5;
	v8 =	vadd.f32 $3.157475290e-01, v8  }
0x158: {  	v1 =	vmax.f32 v1, $0.0e+00;
	v11 =	vmul.f32 v11, v36;
	v15 =	vadd.f32 $-1.903546300e-01, v15  }
0x159: {  	v1 =	vadd.f32 v7, v1;
	v14 =	vadd.f32 $9.998477100e-01, v14;
	v45 =	vmul.f32 v8, v33  }
0x15a: {  	v56 =	vld [tilespmem:s31+$0xA000];
	vm13 =	veq.s32 v44, $0x0;
	v46 =	vadd.f32 $3.157475290e-01, v11;
	v49 =	vmul.f32 v15, v41  }
0x15b: {  	v1 =	vadd.f32 v1, v6;
	v48 =	vmul.f32 v14, v5;
	v6 =	vadd.f32 $-4.973732830e-01, v45  }
0x15c: {  	vm14 =	veq.s32 v51, $0x0;
	v50 =	vmul.f32 v46, v36;
	v52 =	vadd.f32 $3.157475290e-01, v49  }
0x15d: {  	v2 =	vsel vm13, v2, v47;
	v5 =	vadd.f32 $1.471613930e-06, v48;
	v6 =	vmul.f32 v6, v33  }
0x15e: {  	v2 =	vmax.f32 v2, $0.0e+00;
	v7 =	vadd.f32 $-4.973732830e-01, v50;
	v54 =	vmul.f32 v52, v41  }
0x15f: {  	vm15 =	veq.s32 v56, $0x0;
	v2 =	vadd.f32 v5, v2;
	v6 =	vadd.f32 $9.998477100e-01, v6  }
0x160: {  	v43 =	vsel vm12, $0x0, v0;
	v7 =	vmul.f32 v7, v36;
	v5 =	vadd.f32 $-4.973732830e-01, v54  }
0x161: {  	v59 =	vsub.f32 $0.0e+00, v10;
	v1 =	vadd.f32 v2, v1;
	v6 =	vmul.f32 v6, v33  }
0x162: {  	v2 =	vsel vm14, v3, v55;
	v3 =	vld [tilespmem:s0+$0xA000];
	v7 =	vadd.f32 $9.998477100e-01, v7;
	v5 =	vmul.f32 v5, v41  }
0x163: {  	v53 =	vsel vm13, $0x0, v0;
	v9 =	vadd.f32 v43, v9;
	v6 =	vadd.f32 $1.471613930e-06, v6  }
0x164: {  	v2 =	vmax.f32 v2, $0.0e+00;
	v7 =	vmul.f32 v7, v36;
	v5 =	vadd.f32 $9.998477100e-01, v5  }
0x165: {  	v4 =	vsel vm15, v4, v57;
	v9 =	vadd.f32 v53, v9;
	v2 =	vadd.f32 v6, v2  }
0x166: {  	v8 =	vsel vm14, $0x0, v0;
	v58 =	vadd.f32 $1.471613930e-06, v7;
	v5 =	vmul.f32 v5, v41  }
0x167: {  	vm1 =	veq.s32 v3, $0x0;
	v1 =	vadd.f32 v2, v1;
	v2 =	vmax.f32 v4, $0.0e+00  }
0x168: {  	v60 =	vsel vm1, v10, v59;
	v2 =	vadd.f32 v58, v2;
	v3 =	vadd.f32 $1.471613930e-06, v5  }
0x169: {  	v61 =	vadd.f32 v8, v9;
	v4 =	vmax.f32 v60, $0.0e+00  }
0x16a: {  	v62 =	vsel vm15, $0x0, v0;
	v1 =	vadd.f32 v2, v1;
	v2 =	vadd.f32 v3, v4  }
0x16b: {  	v3 =	vadd.f32 v62, v61  }
0x16c: {  	v63 =	vsel vm1, $0x0, v0;
	v1 =	vadd.f32 v2, v1  }
0x16d: {  	s26 =	sadd.s32 $0x1, s26;
	v2 =	vadd.f32 v63, v3  }
0x16e: {  	p0 =	sne.s32 s26, s16;
	[tilespmem:$0xC000] =	vst v1  }
.Ltmp4:
0x16f: {  	[tilespmem:$0xC010] =	vst v2;
	(pc) =	sbr.rel @p0 .LBB2_1-.Ltmp4, $4  }
0x170: {  	[hbm4b:s15+s2] =	stream.linear.scatter [tilespmem:s24], [sflag:$0x3], $0x80, $0x38;
	[tilespmem:$0xC080] =	vst v63  }
0x171: {  	_ =	swait.ge [sflag:s25], $0x80  }
0x172: {  	[sflag:s25] =	ssyncset.done $0x0  }
0x173: {  	[sflag:s25] =	ssyncadd.s32 $0xFFFFFF80  }
0x174: {  	_ =	sfence.sel $0x180000  }
0x175: {  	[bflag:$0x0] =	sbarrier.arrive $0xFFFF  }
0x176: {  	_ =	strace $0x90000047  }
0x177: {  	s0 =	stileid.u32;
	[bflag:$0x2] =	sbarrier.arrive $0xFFFF  }
0x178: {  	p0 =	sne.s32 s0, $0x0;
	s0 =	rddreg [dreg:$0x2]  }
0x179: {  	s0 =	sadd.s32 @!p0 $0x100000, s0  }
0x17a: {  	[sflag:s0] =	ssyncadd.tile.s32 @!p0 $0x1;
	_ =	shalt  }
.Lfunc_end2:
_tile_overlayer_lowered:
.L_overlay_start_2:
0x17b: {  	(tag) =	ssettag $0x2  }
0x17c: {  	s0 =	rddreg [dreg:$0x0];
	s2 =	stileid.u32  }
0x17d: {  	s1 =	rddreg [dreg:$0x1];
	p0 =	sne.s32 s2, $0x0  }
0x17e: {  	s3 =	rddreg [dreg:$0x2];
	[bflag:$0x3] =	sbarrier.arrive $0xFFFF;
	s2 =	simm.s32 @!p0 $0x1C03  }
0x17f: {  	[timem:s3], [sflag:s2] =	dma.local @!p0 [hbm:s0], s1  }
0x180: {  	s0 =	simm.s32 @!p0 $0x3  }
0x181: {  	_ =	swait.ge @!p0 [sflag:s0], s1  }
0x182: {  	s1 =	ssub.s32 @!p0 $0x0, s1;
	[sflag:s0] =	ssyncset.done @!p0 $0x0  }
0x183: {  	[sflag:s0] =	ssyncadd.s32 @!p0 s1  }
0x184: {  	[bflag:$0x3] =	sbarrier.arrive $0xFFFF  }
0x185: {  	_ =	shalt  }

</sc_bundles>
